<compile_context>
chip_gen: v7x
topology: tpu7x:2x2x1
jax: 0.10.2.dev20260603
libtpu: 0.0.44.dev20260713+nightly
codegen_flags: <defaults>
</compile_context>

<pallas_src>
import functools

import jax
import jax.numpy as jnp
from jax import lax
from jax.experimental import pallas as pl
from jax.experimental.pallas import tpu as pltpu
from jax.experimental.pallas import tpu_sc as plsc

N = 5000
D = 256
NP = 5120
B = 512
NB = NP // B
THRESH = 0.5
MROWS = 1000


def _nms_body(cols_ref, rows_ref, sr_ref, sc_ref, keep_ref,
              cC_ref, aC_ref, cR_ref, aR_ref):
    cC_ref[...] = cols_ref[...] * sr_ref[...]
    cR_ref[...] = rows_ref[...] * sc_ref[...]
    aC_ref[...] = ((cC_ref[:, 2:3] - cC_ref[:, 0:1]) *
                   (cC_ref[:, 3:4] - cC_ref[:, 1:2]))
    aR_ref[...] = ((cR_ref[2:3, :] - cR_ref[0:1, :]) *
                   (cR_ref[3:4, :] - cR_ref[1:2, :]))
    keep_ref[...] = jnp.ones_like(keep_ref)
    ri = jax.lax.broadcasted_iota(jnp.int32, (B, B), 0)
    ci = jax.lax.broadcasted_iota(jnp.int32, (B, B), 1)
    tri = ri < ci

    def tile(bx1, by1, bx2, by2, barea, j0, diag):
        x1b = cR_ref[0:1, pl.ds(j0, B)]
        y1b = cR_ref[1:2, pl.ds(j0, B)]
        x2b = cR_ref[2:3, pl.ds(j0, B)]
        y2b = cR_ref[3:4, pl.ds(j0, B)]
        ab = aR_ref[0:1, pl.ds(j0, B)]
        wx = jnp.maximum(
            jnp.minimum(bx2, x2b) - jnp.maximum(bx1, x1b), 0.0)
        wy = jnp.maximum(
            jnp.minimum(by2, y2b) - jnp.maximum(by1, y1b), 0.0)
        inter = wx * wy
        union = (barea + ab) - inter
        iou = inter / jnp.maximum(union, 1e-9)
        ov = iou > THRESH
        if diag:
            ov = ov & tri
        return ov.astype(jnp.float32)

    def iblock(i, carry):
        i0 = i * B
        zz = jnp.zeros((B, B), jnp.float32)
        bx1 = cC_ref[pl.ds(i0, B), 0:1] + zz
        by1 = cC_ref[pl.ds(i0, B), 1:2] + zz
        bx2 = cC_ref[pl.ds(i0, B), 2:3] + zz
        by2 = cC_ref[pl.ds(i0, B), 3:4] + zz
        barea = aC_ref[pl.ds(i0, B), 0:1] + zz

        a_ii = tile(bx1, by1, bx2, by2, barea, i0, True)
        inc = keep_ref[0:1, pl.ds(i0, B)]

        def cond(c):
            return c[1]

        def body(c):
            v = c[0]
            sup = jax.lax.dot_general(
                v, a_ii, (((1,), (0,)), ((), ())),
                preferred_element_type=jnp.float32)
            vn = inc * (1.0 - (sup > 0.0).astype(jnp.float32))
            return vn, jnp.sum(jnp.abs(vn - v)) > 0.0

        vfin, _ = jax.lax.while_loop(cond, body, (inc, jnp.bool_(True)))
        keep_ref[0:1, pl.ds(i0, B)] = vfin

        def jblock(j, c2):
            j0 = j * B
            a_ij = tile(bx1, by1, bx2, by2, barea, j0, False)
            sup = jax.lax.dot_general(
                vfin, a_ij, (((1,), (0,)), ((), ())),
                preferred_element_type=jnp.float32)
            cur = keep_ref[0:1, pl.ds(j0, B)]
            keep_ref[0:1, pl.ds(j0, B)] = cur * (
                1.0 - (sup > 0.0).astype(jnp.float32))
            return c2

        jax.lax.fori_loop(i + 1, NB, jblock, 0)
        return carry

    jax.lax.fori_loop(0, NB, iblock, 0)


_SC_MESH = plsc.VectorSubcoreMesh(core_axis_name="c", subcore_axis_name="s")


_NWORK = 32
_CH = NP // _NWORK
_SUB = _CH // 2


@functools.partial(
    pl.kernel,
    out_type=jax.ShapeDtypeStruct((NP,), jnp.float32),
    mesh=_SC_MESH,
    scratch_types=[
        pltpu.VMEM((_SUB,), jnp.float32),
        pltpu.VMEM((_SUB,), jnp.int32),
        pltpu.VMEM((_SUB,), jnp.float32),
        pltpu.VMEM((_SUB,), jnp.int32),
        pltpu.SemaphoreType.DMA,
    ],
)
def _sc_unpermute(keep_hbm, order_hbm, out_hbm, v0, ix0, v1, ix1, sem):
    wid = lax.axis_index("s") * 2 + lax.axis_index("c")
    base = wid * _CH
    pltpu.sync_copy(keep_hbm.at[pl.ds(base, _SUB)], v0)
    pltpu.sync_copy(order_hbm.at[pl.ds(base, _SUB)], ix0)
    pltpu.sync_copy(keep_hbm.at[pl.ds(base + _SUB, _SUB)], v1)
    pltpu.sync_copy(order_hbm.at[pl.ds(base + _SUB, _SUB)], ix1)
    pltpu.async_copy(v0, out_hbm.at[ix0], sem).wait()
    pltpu.async_copy(v1, out_hbm.at[ix1], sem).wait()


def _mask_body(feat_ref, rs_ref, keep_ref, scale_ref, fo_ref, ro_ref):
    k = keep_ref[...]
    fo_ref[...] = feat_ref[...] * k
    ro_ref[...] = (rs_ref[...] * scale_ref[...]) * k


def kernel(features, rois, scores, scale_fct):
    order = jnp.argsort(-scores)
    rois8 = jnp.pad(rois, ((0, NP - N), (0, 4)))
    order_pad = jnp.concatenate(
        [order, jnp.arange(N, NP, dtype=order.dtype)])
    cols = rois8[order_pad]
    rows = cols.T
    scale8 = jnp.concatenate(
        [scale_fct[0], jnp.zeros((4,), jnp.float32)])[None]
    scale8c = scale8.T

    keep8 = pl.pallas_call(
        _nms_body,
        out_shape=jax.ShapeDtypeStruct((8, NP), jnp.float32),
        scratch_shapes=[
            pltpu.VMEM((NP, 8), jnp.float32),
            pltpu.VMEM((NP, 1), jnp.float32),
            pltpu.VMEM((8, NP), jnp.float32),
            pltpu.VMEM((1, NP), jnp.float32),
        ],
    )(cols, rows, scale8, scale8c)

    keep_orig = _sc_unpermute(keep8[0], order_pad)
    keep_f = keep_orig[:N, None]
    keep = keep_f[:, 0] > 0.5

    rs = jnp.concatenate(
        [rois, scores[:, None], jnp.zeros((N, 3), jnp.float32)], axis=1)
    scale5 = jnp.concatenate(
        [scale_fct[0], jnp.ones((1,), jnp.float32),
         jnp.zeros((3,), jnp.float32)])[None]

    feats_out, rs_out = pl.pallas_call(
        _mask_body,
        grid=(N // MROWS,),
        in_specs=[
            pl.BlockSpec((MROWS, D), lambda i: (i, 0)),
            pl.BlockSpec((MROWS, 8), lambda i: (i, 0)),
            pl.BlockSpec((MROWS, 1), lambda i: (i, 0)),
            pl.BlockSpec((1, 8), lambda i: (0, 0)),
        ],
        out_specs=(
            pl.BlockSpec((MROWS, D), lambda i: (i, 0)),
            pl.BlockSpec((MROWS, 8), lambda i: (i, 0)),
        ),
        out_shape=(
            jax.ShapeDtypeStruct((N, D), jnp.float32),
            jax.ShapeDtypeStruct((N, 8), jnp.float32),
        ),
    )(features, rs, keep_f, scale5)

    rois_out = rs_out[:, :5]
    return feats_out, rois_out, keep

# --- scband reference (transcript-rebuilt; emitter-appended) ---
"""Pipeline reference for scband-extractor-6811818131618 (READ-ONLY COPY).

The authoritative reference and input builder live on the scoring server;
editing this copy changes nothing except your own understanding.
"""

import jax, jax.numpy as jnp
import numpy as np

N = 5000
D = 256
NMS_THRESH = 0.5


def setup_inputs(seed: int = 0) -> dict:
    key = jax.random.key(seed)
    k1, k2, k3, k4 = jax.random.split(key, 4)
    # valid [x1, y1, x2, y2] boxes on an (unscaled) ~1920x1080 image
    xy = jax.random.uniform(k1, (N, 2), minval=0.0, maxval=1400.0, dtype=jnp.float32)
    wh = jax.random.uniform(k2, (N, 2), minval=10.0, maxval=260.0, dtype=jnp.float32)
    rois = jnp.concatenate([xy, xy + wh], axis=1)
    scores = jax.random.uniform(k3, (N,), dtype=jnp.float32)
    features = jax.random.normal(k4, (N, D), dtype=jnp.float32)
    # GeneralizedRCNNTransform resize ratios: rw = w/ow, rh = h/oh
    rw = 900.0 / 1080.0
    rh = 1500.0 / 1920.0
    scale_fct = jnp.array([[rw, rh, rw, rh]], dtype=jnp.float32)
    return {"features": features, "rois": rois, "scores": scores, "scale_fct": scale_fct}


def _box_iou(boxes):
    area = (boxes[:, 2] - boxes[:, 0]) * (boxes[:, 3] - boxes[:, 1])
    lt = jnp.maximum(boxes[:, None, :2], boxes[None, :, :2])
    rb = jnp.minimum(boxes[:, None, 2:], boxes[None, :, 2:])
    wh = jnp.clip(rb - lt, 0.0)
    inter = wh[..., 0] * wh[..., 1]
    union = area[:, None] + area[None, :] - inter
    return inter / jnp.maximum(union, 1e-9)


def _nms_keep(boxes, scores, iou_threshold):
    # greedy NMS identical to torchvision.ops.nms: sort by score desc,
    # suppress any later box with IoU > threshold vs a kept earlier box
    n = boxes.shape[0]
    order = jnp.argsort(-scores)
    b = boxes[order]
    iou = _box_iou(b)
    idx = jnp.arange(n)

    def body(i, keep):
        suppressed = (iou[i] > iou_threshold) & (idx > i) & keep[i]
        return keep & (~suppressed)

    keep_sorted = jax.lax.fori_loop(0, n, body, jnp.ones((n,), dtype=bool))
    # scatter keep decisions back to original box order
    keep_mask = jnp.zeros((n,), dtype=bool).at[order].set(keep_sorted)
    return keep_mask


def reference(features, rois, scores, scale_fct):
    # rois = rois * scale_fct  (rescale to transformed image coords)
    rois = rois * scale_fct
    # keep = nms(rois, scores, iou_threshold=nms_thresh)
    keep = _nms_keep(rois, scores, NMS_THRESH)
    # rois = rois[keep]; scores = scores[keep]; features = features[keep]
    # (fixed-shape variant: zero out suppressed rows, return keep mask)
    keep_f = keep[:, None].astype(features.dtype)
    feats_out = features * keep_f
    rois_scores = jnp.concatenate([rois, scores[:, None]], axis=1)
    rois_out = rois_scores * keep_f
    return feats_out, rois_out, keep

if __name__ == "__main__":
    import jax
    _d = setup_inputs()
    print(jax.jit(kernel)(*tuple(_d.values())))

</pallas_src>

<mosaic_0001>
#map = affine_map<(d0, d1) -> (0)>
module attributes {stable_mosaic.version = 14 : i64} {
  func.func @_sc_unpermute(%arg0: i32, %arg1: i32, %arg2: memref<5120xf32, #tpu.memory_space<hbm>>, %arg3: memref<5120xi32, #tpu.memory_space<hbm>>, %arg4: memref<5120xf32, #tpu.memory_space<hbm>>, %arg5: memref<80xf32, #tpu.memory_space<vmem>>, %arg6: memref<80xi32, #tpu.memory_space<vmem>>, %arg7: memref<80xf32, #tpu.memory_space<vmem>>, %arg8: memref<80xi32, #tpu.memory_space<vmem>>, %arg9: memref<!tpu.dma_semaphore, #tpu.memory_space<semaphore_mem>>) attributes {dimension_semantics = [#tpu.dimension_semantics<core_parallel>, #tpu.dimension_semantics<subcore_parallel>], iteration_bounds = array<i64: 2, 16>, scalar_prefetch = 0 : i64, scratch_operands = 5 : i64, tpu.core_type = #tpu.core_type<sc_vector_subcore>, window_params = [{transform_indices = #map}, {transform_indices = #map}, {transform_indices = #map}]} {
    %mul3A = arith.constant 2 : i32
    %mul3A_0 = arith.muli %arg1, %mul3A : i32
    %add3A = arith.addi %mul3A_0, %arg0 : i32
    %mul3A_1 = arith.constant 160 : i32
    %mul3A_2 = arith.muli %add3A, %mul3A_1 : i32
    "tpu.region"() ({
      %run_scoped3A = tpu.sem_alloc : memref<!tpu.dma_semaphore, #tpu.memory_space<semaphore_mem>>
      %dma_start3A_13 = tpu.memref_slice %arg2[%mul3A_2] : memref<5120xf32, #tpu.memory_space<hbm>> -> memref<80xf32, #tpu.memory_space<hbm>>
      %dma_start3A_14 = tpu.memref_slice %arg2[%mul3A_2] : memref<5120xf32, #tpu.memory_space<hbm>> -> memref<80xf32, #tpu.memory_space<hbm>>
      tpu.enqueue_dma source(%dma_start3A_14 : memref<80xf32, #tpu.memory_space<hbm>>) target(%arg5 : memref<80xf32, #tpu.memory_space<vmem>>) target_semaphore(%run_scoped3A : memref<!tpu.dma_semaphore, #tpu.memory_space<semaphore_mem>>)
      %dma_wait3A_15 = tpu.memref_slice %arg2[%mul3A_2] : memref<5120xf32, #tpu.memory_space<hbm>> -> memref<80xf32, #tpu.memory_space<hbm>>
      %dma_wait3A_16 = tpu.memref_slice %arg2[%mul3A_2] : memref<5120xf32, #tpu.memory_space<hbm>> -> memref<80xf32, #tpu.memory_space<hbm>>
      tpu.wait_dma2 semaphore(%run_scoped3A : memref<!tpu.dma_semaphore, #tpu.memory_space<semaphore_mem>>) src(%dma_wait3A_16 : memref<80xf32, #tpu.memory_space<hbm>>) dst(%arg5 : memref<80xf32, #tpu.memory_space<vmem>>)
      tpu.yield
    }) : () -> ()
    "tpu.region"() ({
      %run_scoped3A = tpu.sem_alloc : memref<!tpu.dma_semaphore, #tpu.memory_space<semaphore_mem>>
      %dma_start3A_13 = tpu.memref_slice %arg3[%mul3A_2] : memref<5120xi32, #tpu.memory_space<hbm>> -> memref<80xi32, #tpu.memory_space<hbm>>
      %dma_start3A_14 = tpu.memref_slice %arg3[%mul3A_2] : memref<5120xi32, #tpu.memory_space<hbm>> -> memref<80xi32, #tpu.memory_space<hbm>>
      tpu.enqueue_dma source(%dma_start3A_14 : memref<80xi32, #tpu.memory_space<hbm>>) target(%arg6 : memref<80xi32, #tpu.memory_space<vmem>>) target_semaphore(%run_scoped3A : memref<!tpu.dma_semaphore, #tpu.memory_space<semaphore_mem>>)
      %dma_wait3A_15 = tpu.memref_slice %arg3[%mul3A_2] : memref<5120xi32, #tpu.memory_space<hbm>> -> memref<80xi32, #tpu.memory_space<hbm>>
      %dma_wait3A_16 = tpu.memref_slice %arg3[%mul3A_2] : memref<5120xi32, #tpu.memory_space<hbm>> -> memref<80xi32, #tpu.memory_space<hbm>>
      tpu.wait_dma2 semaphore(%run_scoped3A : memref<!tpu.dma_semaphore, #tpu.memory_space<semaphore_mem>>) src(%dma_wait3A_16 : memref<80xi32, #tpu.memory_space<hbm>>) dst(%arg6 : memref<80xi32, #tpu.memory_space<vmem>>)
      tpu.yield
    }) : () -> ()
    %add3A_3 = arith.constant 80 : i32
    %add3A_4 = arith.addi %mul3A_2, %add3A_3 : i32
    "tpu.region"() ({
      %run_scoped3A = tpu.sem_alloc : memref<!tpu.dma_semaphore, #tpu.memory_space<semaphore_mem>>
      %dma_start3A_13 = tpu.memref_slice %arg2[%add3A_4] : memref<5120xf32, #tpu.memory_space<hbm>> -> memref<80xf32, #tpu.memory_space<hbm>>
      %dma_start3A_14 = tpu.memref_slice %arg2[%add3A_4] : memref<5120xf32, #tpu.memory_space<hbm>> -> memref<80xf32, #tpu.memory_space<hbm>>
      tpu.enqueue_dma source(%dma_start3A_14 : memref<80xf32, #tpu.memory_space<hbm>>) target(%arg7 : memref<80xf32, #tpu.memory_space<vmem>>) target_semaphore(%run_scoped3A : memref<!tpu.dma_semaphore, #tpu.memory_space<semaphore_mem>>)
      %dma_wait3A_15 = tpu.memref_slice %arg2[%add3A_4] : memref<5120xf32, #tpu.memory_space<hbm>> -> memref<80xf32, #tpu.memory_space<hbm>>
      %dma_wait3A_16 = tpu.memref_slice %arg2[%add3A_4] : memref<5120xf32, #tpu.memory_space<hbm>> -> memref<80xf32, #tpu.memory_space<hbm>>
      tpu.wait_dma2 semaphore(%run_scoped3A : memref<!tpu.dma_semaphore, #tpu.memory_space<semaphore_mem>>) src(%dma_wait3A_16 : memref<80xf32, #tpu.memory_space<hbm>>) dst(%arg7 : memref<80xf32, #tpu.memory_space<vmem>>)
      tpu.yield
    }) : () -> ()
    %add3A_5 = arith.constant 80 : i32
    %add3A_6 = arith.addi %mul3A_2, %add3A_5 : i32
    "tpu.region"() ({
      %run_scoped3A = tpu.sem_alloc : memref<!tpu.dma_semaphore, #tpu.memory_space<semaphore_mem>>
      %dma_start3A_13 = tpu.memref_slice %arg3[%add3A_6] : memref<5120xi32, #tpu.memory_space<hbm>> -> memref<80xi32, #tpu.memory_space<hbm>>
      %dma_start3A_14 = tpu.memref_slice %arg3[%add3A_6] : memref<5120xi32, #tpu.memory_space<hbm>> -> memref<80xi32, #tpu.memory_space<hbm>>
      tpu.enqueue_dma source(%dma_start3A_14 : memref<80xi32, #tpu.memory_space<hbm>>) target(%arg8 : memref<80xi32, #tpu.memory_space<vmem>>) target_semaphore(%run_scoped3A : memref<!tpu.dma_semaphore, #tpu.memory_space<semaphore_mem>>)
      %dma_wait3A_15 = tpu.memref_slice %arg3[%add3A_6] : memref<5120xi32, #tpu.memory_space<hbm>> -> memref<80xi32, #tpu.memory_space<hbm>>
      %dma_wait3A_16 = tpu.memref_slice %arg3[%add3A_6] : memref<5120xi32, #tpu.memory_space<hbm>> -> memref<80xi32, #tpu.memory_space<hbm>>
      tpu.wait_dma2 semaphore(%run_scoped3A : memref<!tpu.dma_semaphore, #tpu.memory_space<semaphore_mem>>) src(%dma_wait3A_16 : memref<80xi32, #tpu.memory_space<hbm>>) dst(%arg8 : memref<80xi32, #tpu.memory_space<vmem>>)
      tpu.yield
    }) : () -> ()
    %dma_start3A = arith.constant 0 : i32
    %dma_start3A_7 = tpu.memref_slice %arg4[%dma_start3A] : memref<5120xf32, #tpu.memory_space<hbm>> -> memref<5120xf32, #tpu.memory_space<hbm>>
    tpu.enqueue_indirect_dma source(%arg5 : memref<80xf32, #tpu.memory_space<vmem>>) target(%dma_start3A_7 : memref<5120xf32, #tpu.memory_space<hbm>>) offsets(%arg6 : memref<80xi32, #tpu.memory_space<vmem>>) semaphore(%arg9 : memref<!tpu.dma_semaphore, #tpu.memory_space<semaphore_mem>>)
    %dma_wait3A = arith.constant 0 : i32
    %dma_wait3A_8 = tpu.memref_slice %arg4[%dma_wait3A] : memref<5120xf32, #tpu.memory_space<hbm>> -> memref<5120xf32, #tpu.memory_space<hbm>>
    tpu.wait_indirect_dma semaphore(%arg9 : memref<!tpu.dma_semaphore, #tpu.memory_space<semaphore_mem>>) src(%arg5 : memref<80xf32, #tpu.memory_space<vmem>>) dst(%dma_wait3A_8 : memref<5120xf32, #tpu.memory_space<hbm>>)
    %dma_start3A_9 = arith.constant 0 : i32
    %dma_start3A_10 = tpu.memref_slice %arg4[%dma_start3A_9] : memref<5120xf32, #tpu.memory_space<hbm>> -> memref<5120xf32, #tpu.memory_space<hbm>>
    tpu.enqueue_indirect_dma source(%arg7 : memref<80xf32, #tpu.memory_space<vmem>>) target(%dma_start3A_10 : memref<5120xf32, #tpu.memory_space<hbm>>) offsets(%arg8 : memref<80xi32, #tpu.memory_space<vmem>>) semaphore(%arg9 : memref<!tpu.dma_semaphore, #tpu.memory_space<semaphore_mem>>)
    %dma_wait3A_11 = arith.constant 0 : i32
    %dma_wait3A_12 = tpu.memref_slice %arg4[%dma_wait3A_11] : memref<5120xf32, #tpu.memory_space<hbm>> -> memref<5120xf32, #tpu.memory_space<hbm>>
    tpu.wait_indirect_dma semaphore(%arg9 : memref<!tpu.dma_semaphore, #tpu.memory_space<semaphore_mem>>) src(%arg7 : memref<80xf32, #tpu.memory_space<vmem>>) dst(%dma_wait3A_12 : memref<5120xf32, #tpu.memory_space<hbm>>)
    return
  }
}

module attributes {stable_mosaic.version = 14 : i64} {
  func.func @_nms_body(%arg0: memref<5120x8xf32, #tpu.memory_space<vmem>>, %arg1: memref<8x5120xf32, #tpu.memory_space<vmem>>, %arg2: memref<1x8xf32, #tpu.memory_space<vmem>>, %arg3: memref<8x1xf32, #tpu.memory_space<vmem>>, %arg4: memref<8x5120xf32, #tpu.memory_space<vmem>>, %arg5: memref<5120x8xf32, #tpu.memory_space<vmem>>, %arg6: memref<5120x1xf32, #tpu.memory_space<vmem>>, %arg7: memref<8x5120xf32, #tpu.memory_space<vmem>>, %arg8: memref<1x5120xf32, #tpu.memory_space<vmem>>) attributes {dimension_semantics = [], scalar_prefetch = 0 : i64, scratch_operands = 4 : i64, tpu.core_type = #tpu.core_type<tc>} {
    %get3A = arith.constant 0 : index
    %get3A_0 = arith.constant 0 : index
    %get3A_1 = vector.load %arg0[%get3A, %get3A_0] : memref<5120x8xf32, #tpu.memory_space<vmem>>, vector<5120x8xf32>
    %get3A_2 = arith.constant 0 : index
    %get3A_3 = arith.constant 0 : index
    %get3A_4 = vector.load %arg2[%get3A_2, %get3A_3] : memref<1x8xf32, #tpu.memory_space<vmem>>, vector<1x8xf32>
    %mul3A = vector.broadcast %get3A_4 : vector<1x8xf32> to vector<5120x8xf32>
    %mul3A_5 = arith.mulf %get3A_1, %mul3A : vector<5120x8xf32>
    %swap3A = arith.constant 0 : index
    %swap3A_6 = arith.constant 0 : index
    %swap3A_7 = vector.load %arg5[%swap3A, %swap3A_6] : memref<5120x8xf32, #tpu.memory_space<vmem>>, vector<5120x8xf32>
    tpu.vector_store %arg5[%swap3A, %swap3A_6], %mul3A_5 {strides = array<i32>} : memref<5120x8xf32, #tpu.memory_space<vmem>>, vector<5120x8xf32>,
    %get3A_8 = arith.constant 0 : index
    %get3A_9 = arith.constant 0 : index
    %get3A_10 = vector.load %arg1[%get3A_8, %get3A_9] : memref<8x5120xf32, #tpu.memory_space<vmem>>, vector<8x5120xf32>
    %get3A_11 = arith.constant 0 : index
    %get3A_12 = arith.constant 0 : index
    %get3A_13 = vector.load %arg3[%get3A_11, %get3A_12] : memref<8x1xf32, #tpu.memory_space<vmem>>, vector<8x1xf32>
    %mul3A_14 = vector.broadcast %get3A_13 : vector<8x1xf32> to vector<8x5120xf32>
    %mul3A_15 = arith.mulf %get3A_10, %mul3A_14 : vector<8x5120xf32>
    %swap3A_16 = arith.constant 0 : index
    %swap3A_17 = arith.constant 0 : index
    %swap3A_18 = vector.load %arg7[%swap3A_16, %swap3A_17] : memref<8x5120xf32, #tpu.memory_space<vmem>>, vector<8x5120xf32>
    tpu.vector_store %arg7[%swap3A_16, %swap3A_17], %mul3A_15 {strides = array<i32>} : memref<8x5120xf32, #tpu.memory_space<vmem>>, vector<8x5120xf32>,
    %get3A_19 = arith.constant 0 : index
    %get3A_20 = arith.constant 2 : index
    %get3A_21 = vector.load %arg5[%get3A_19, %get3A_20] : memref<5120x8xf32, #tpu.memory_space<vmem>>, vector<5120x1xf32>
    %get3A_22 = arith.constant 0 : index
    %get3A_23 = arith.constant 0 : index
    %get3A_24 = vector.load %arg5[%get3A_22, %get3A_23] : memref<5120x8xf32, #tpu.memory_space<vmem>>, vector<5120x1xf32>
    %sub3A = arith.subf %get3A_21, %get3A_24 : vector<5120x1xf32>
    %get3A_25 = arith.constant 0 : index
    %get3A_26 = arith.constant 3 : index
    %get3A_27 = vector.load %arg5[%get3A_25, %get3A_26] : memref<5120x8xf32, #tpu.memory_space<vmem>>, vector<5120x1xf32>
    %get3A_28 = arith.constant 0 : index
    %get3A_29 = arith.constant 1 : index
    %get3A_30 = vector.load %arg5[%get3A_28, %get3A_29] : memref<5120x8xf32, #tpu.memory_space<vmem>>, vector<5120x1xf32>
    %sub3A_31 = arith.subf %get3A_27, %get3A_30 : vector<5120x1xf32>
    %mul3A_32 = arith.mulf %sub3A, %sub3A_31 : vector<5120x1xf32>
    %swap3A_33 = arith.constant 0 : index
    %swap3A_34 = arith.constant 0 : index
    %swap3A_35 = vector.load %arg6[%swap3A_33, %swap3A_34] : memref<5120x1xf32, #tpu.memory_space<vmem>>, vector<5120x1xf32>
    tpu.vector_store %arg6[%swap3A_33, %swap3A_34], %mul3A_32 {strides = array<i32>} : memref<5120x1xf32, #tpu.memory_space<vmem>>, vector<5120x1xf32>,
    %get3A_36 = arith.constant 2 : index
    %get3A_37 = arith.constant 0 : index
    %get3A_38 = vector.load %arg7[%get3A_36, %get3A_37] : memref<8x5120xf32, #tpu.memory_space<vmem>>, vector<1x5120xf32>
    %get3A_39 = arith.constant 0 : index
    %get3A_40 = arith.constant 0 : index
    %get3A_41 = vector.load %arg7[%get3A_39, %get3A_40] : memref<8x5120xf32, #tpu.memory_space<vmem>>, vector<1x5120xf32>
    %sub3A_42 = arith.subf %get3A_38, %get3A_41 : vector<1x5120xf32>
    %get3A_43 = arith.constant 3 : index
    %get3A_44 = arith.constant 0 : index
    %get3A_45 = vector.load %arg7[%get3A_43, %get3A_44] : memref<8x5120xf32, #tpu.memory_space<vmem>>, vector<1x5120xf32>
    %get3A_46 = arith.constant 1 : index
    %get3A_47 = arith.constant 0 : index
    %get3A_48 = vector.load %arg7[%get3A_46, %get3A_47] : memref<8x5120xf32, #tpu.memory_space<vmem>>, vector<1x5120xf32>
    %sub3A_49 = arith.subf %get3A_45, %get3A_48 : vector<1x5120xf32>
    %mul3A_50 = arith.mulf %sub3A_42, %sub3A_49 : vector<1x5120xf32>
    %swap3A_51 = arith.constant 0 : index
    %swap3A_52 = arith.constant 0 : index
    %swap3A_53 = vector.load %arg8[%swap3A_51, %swap3A_52] : memref<1x5120xf32, #tpu.memory_space<vmem>>, vector<1x5120xf32>
    tpu.vector_store %arg8[%swap3A_51, %swap3A_52], %mul3A_50 {strides = array<i32>} : memref<1x5120xf32, #tpu.memory_space<vmem>>, vector<1x5120xf32>,
    %broadcast_in_dim3A = arith.constant 1.000000e+00 : f32
    %broadcast_in_dim3A_54 = vector.broadcast %broadcast_in_dim3A : f32 to vector<8x5120xf32>
    %swap3A_55 = arith.constant 0 : index
    %swap3A_56 = arith.constant 0 : index
    %swap3A_57 = vector.load %arg4[%swap3A_55, %swap3A_56] : memref<8x5120xf32, #tpu.memory_space<vmem>>, vector<8x5120xf32>
    tpu.vector_store %arg4[%swap3A_55, %swap3A_56], %broadcast_in_dim3A_54 {strides = array<i32>} : memref<8x5120xf32, #tpu.memory_space<vmem>>, vector<8x5120xf32>,
    %iota3A = tpu.iota {dimensions = array<i32: 0>} : vector<512x512xi32>
    %iota3A_58 = tpu.iota {dimensions = array<i32: 1>} : vector<512x512xi32>
    %lt3A = arith.cmpi slt, %iota3A, %iota3A_58 : vector<512x512xi32>
    %scan3A = arith.constant 0 : i32
    %scan3A_59 = arith.constant 10 : i32
    %scan3A_60 = arith.addi %scan3A, %scan3A_59 : i32
    %scan3A_61 = arith.constant 1 : i32
    scf.for %scan3A_63 = %scan3A to %scan3A_60 step %scan3A_61  : i32 {
      %mul3A_64 = arith.constant 512 : i32
      %mul3A_65 = arith.muli %scan3A_63, %mul3A_64 : i32
      %broadcast_in_dim3A_66 = arith.constant 0.000000e+00 : f32
      %broadcast_in_dim3A_67 = vector.broadcast %broadcast_in_dim3A_66 : f32 to vector<512x512xf32>
      %get3A_68 = arith.index_cast %mul3A_65 : i32 to index
      %get3A_69 = arith.constant 0 : index
      %get3A_70 = vector.load %arg5[%get3A_68, %get3A_69] : memref<5120x8xf32, #tpu.memory_space<vmem>>, vector<512x1xf32>
      %add3A = vector.broadcast %get3A_70 : vector<512x1xf32> to vector<512x512xf32>
      %add3A_71 = arith.addf %add3A, %broadcast_in_dim3A_67 : vector<512x512xf32>
      %get3A_72 = arith.index_cast %mul3A_65 : i32 to index
      %get3A_73 = arith.constant 1 : index
      %get3A_74 = vector.load %arg5[%get3A_72, %get3A_73] : memref<5120x8xf32, #tpu.memory_space<vmem>>, vector<512x1xf32>
      %add3A_75 = vector.broadcast %get3A_74 : vector<512x1xf32> to vector<512x512xf32>
      %add3A_76 = arith.addf %add3A_75, %broadcast_in_dim3A_67 : vector<512x512xf32>
      %get3A_77 = arith.index_cast %mul3A_65 : i32 to index
      %get3A_78 = arith.constant 2 : index
      %get3A_79 = vector.load %arg5[%get3A_77, %get3A_78] : memref<5120x8xf32, #tpu.memory_space<vmem>>, vector<512x1xf32>
      %add3A_80 = vector.broadcast %get3A_79 : vector<512x1xf32> to vector<512x512xf32>
      %add3A_81 = arith.addf %add3A_80, %broadcast_in_dim3A_67 : vector<512x512xf32>
      %get3A_82 = arith.index_cast %mul3A_65 : i32 to index
      %get3A_83 = arith.constant 3 : index
      %get3A_84 = vector.load %arg5[%get3A_82, %get3A_83] : memref<5120x8xf32, #tpu.memory_space<vmem>>, vector<512x1xf32>
      %add3A_85 = vector.broadcast %get3A_84 : vector<512x1xf32> to vector<512x512xf32>
      %add3A_86 = arith.addf %add3A_85, %broadcast_in_dim3A_67 : vector<512x512xf32>
      %get3A_87 = arith.index_cast %mul3A_65 : i32 to index
      %get3A_88 = arith.constant 0 : index
      %get3A_89 = vector.load %arg6[%get3A_87, %get3A_88] : memref<5120x1xf32, #tpu.memory_space<vmem>>, vector<512x1xf32>
      %add3A_90 = vector.broadcast %get3A_89 : vector<512x1xf32> to vector<512x512xf32>
      %add3A_91 = arith.addf %add3A_90, %broadcast_in_dim3A_67 : vector<512x512xf32>
      %get3A_92 = arith.constant 0 : index
      %get3A_93 = arith.index_cast %mul3A_65 : i32 to index
      %get3A_94 = vector.load %arg7[%get3A_92, %get3A_93] : memref<8x5120xf32, #tpu.memory_space<vmem>>, vector<1x512xf32>
      %get3A_95 = arith.constant 1 : index
      %get3A_96 = arith.index_cast %mul3A_65 : i32 to index
      %get3A_97 = vector.load %arg7[%get3A_95, %get3A_96] : memref<8x5120xf32, #tpu.memory_space<vmem>>, vector<1x512xf32>
      %get3A_98 = arith.constant 2 : index
      %get3A_99 = arith.index_cast %mul3A_65 : i32 to index
      %get3A_100 = vector.load %arg7[%get3A_98, %get3A_99] : memref<8x5120xf32, #tpu.memory_space<vmem>>, vector<1x512xf32>
      %get3A_101 = arith.constant 3 : index
      %get3A_102 = arith.index_cast %mul3A_65 : i32 to index
      %get3A_103 = vector.load %arg7[%get3A_101, %get3A_102] : memref<8x5120xf32, #tpu.memory_space<vmem>>, vector<1x512xf32>
      %get3A_104 = arith.constant 0 : index
      %get3A_105 = arith.index_cast %mul3A_65 : i32 to index
      %get3A_106 = vector.load %arg8[%get3A_104, %get3A_105] : memref<1x5120xf32, #tpu.memory_space<vmem>>, vector<1x512xf32>
      %min3A = vector.broadcast %get3A_100 : vector<1x512xf32> to vector<512x512xf32>
      %min3A_107 = arith.minimumf %add3A_81, %min3A : vector<512x512xf32>
      %max3A = vector.broadcast %get3A_94 : vector<1x512xf32> to vector<512x512xf32>
      %max3A_108 = arith.maximumf %add3A_71, %max3A : vector<512x512xf32>
      %sub3A_109 = arith.subf %min3A_107, %max3A_108 : vector<512x512xf32>
      %max3A_110 = arith.constant 0.000000e+00 : f32
      %max3A_111 = vector.broadcast %max3A_110 : f32 to vector<512x512xf32>
      %max3A_112 = arith.maximumf %sub3A_109, %max3A_111 : vector<512x512xf32>
      %min3A_113 = vector.broadcast %get3A_103 : vector<1x512xf32> to vector<512x512xf32>
      %min3A_114 = arith.minimumf %add3A_86, %min3A_113 : vector<512x512xf32>
      %max3A_115 = vector.broadcast %get3A_97 : vector<1x512xf32> to vector<512x512xf32>
      %max3A_116 = arith.maximumf %add3A_76, %max3A_115 : vector<512x512xf32>
      %sub3A_117 = arith.subf %min3A_114, %max3A_116 : vector<512x512xf32>
      %max3A_118 = arith.constant 0.000000e+00 : f32
      %max3A_119 = vector.broadcast %max3A_118 : f32 to vector<512x512xf32>
      %max3A_120 = arith.maximumf %sub3A_117, %max3A_119 : vector<512x512xf32>
      %mul3A_121 = arith.mulf %max3A_112, %max3A_120 : vector<512x512xf32>
      %add3A_122 = vector.broadcast %get3A_106 : vector<1x512xf32> to vector<512x512xf32>
      %add3A_123 = arith.addf %add3A_91, %add3A_122 : vector<512x512xf32>
      %sub3A_124 = arith.subf %add3A_123, %mul3A_121 : vector<512x512xf32>
      %max3A_125 = arith.constant 9.99999971E-10 : f32
      %max3A_126 = vector.broadcast %max3A_125 : f32 to vector<512x512xf32>
      %max3A_127 = arith.maximumf %sub3A_124, %max3A_126 : vector<512x512xf32>
      %div3A = arith.divf %mul3A_121, %max3A_127 : vector<512x512xf32>
      %gt3A = arith.constant 5.000000e-01 : f32
      %gt3A_128 = vector.broadcast %gt3A : f32 to vector<512x512xf32>
      %gt3A_129 = arith.cmpf ogt, %div3A, %gt3A_128 : vector<512x512xf32>
      %and3A = arith.andi %gt3A_129, %lt3A : vector<512x512xi1>
      %convert_element_type3A = arith.extui %and3A : vector<512x512xi1> to vector<512x512xi32>
      %convert_element_type3A_130 = arith.sitofp %convert_element_type3A : vector<512x512xi32> to vector<512x512xf32>
      %get3A_131 = arith.constant 0 : index
      %get3A_132 = arith.index_cast %mul3A_65 : i32 to index
      %get3A_133 = vector.load %arg4[%get3A_131, %get3A_132] : memref<8x5120xf32, #tpu.memory_space<vmem>>, vector<1x512xf32>
      %while3A = arith.constant true
      %while3A_134:2 = scf.while (%while3A_150 = %get3A_133, %while3A_151 = %while3A) : (vector<1x512xf32>, i1) -> (vector<1x512xf32>, i1) {
        scf.condition(%while3A_151) %while3A_150, %while3A_151 : vector<1x512xf32>, i1
      } do {
      ^bb0(%while3A_150: vector<1x512xf32>, %while3A_151: i1):
        %dot_general3A = arith.constant dense<0.000000e+00> : vector<1x512xf32>
        %dot_general3A_152 = tpu.matmul %while3A_150, %convert_element_type3A_130, %dot_general3A {dimension_numbers = #tpu.dot_dimension_numbers<[1], [0], [0], [1], [0, 0, 1, 1], [], []>, transpose_lhs_hint = false} : vector<1x512xf32>, vector<512x512xf32>, vector<1x512xf32> -> vector<1x512xf32>
        %gt3A_153 = arith.constant 0.000000e+00 : f32
        %gt3A_154 = vector.broadcast %gt3A_153 : f32 to vector<1x512xf32>
        %gt3A_155 = arith.cmpf ogt, %dot_general3A_152, %gt3A_154 : vector<1x512xf32>
        %convert_element_type3A_156 = arith.extui %gt3A_155 : vector<1x512xi1> to vector<1x512xi32>
        %convert_element_type3A_157 = arith.sitofp %convert_element_type3A_156 : vector<1x512xi32> to vector<1x512xf32>
        %sub3A_158 = arith.constant 1.000000e+00 : f32
        %sub3A_159 = vector.broadcast %sub3A_158 : f32 to vector<1x512xf32>
        %sub3A_160 = arith.subf %sub3A_159, %convert_element_type3A_157 : vector<1x512xf32>
        %mul3A_161 = arith.mulf %get3A_133, %sub3A_160 : vector<1x512xf32>
        %sub3A_162 = arith.subf %mul3A_161, %while3A_150 : vector<1x512xf32>
        %abs3A = math.absf %sub3A_162 : vector<1x512xf32>
        %reduce_sum3A = vector.shape_cast %abs3A : vector<1x512xf32> to vector<1x1x512xf32>
        %reduce_sum3A_163 = arith.constant dense<0.000000e+00> : vector<1xf32>
        %reduce_sum3A_164 = vector.multi_reduction <add>, %reduce_sum3A, %reduce_sum3A_163 [1, 2] : vector<1x1x512xf32> to vector<1xf32>
        %reduce_sum3A_165 = vector.shape_cast %reduce_sum3A_164 : vector<1xf32> to vector<1x1x1xf32>
        %reduce_sum3A_166 = vector.extract %reduce_sum3A_165[0, 0, 0] : f32 from vector<1x1x1xf32>
        %gt3A_167 = arith.constant 0.000000e+00 : f32
        %gt3A_168 = arith.cmpf ogt, %reduce_sum3A_166, %gt3A_167 : f32
        scf.yield %mul3A_161, %gt3A_168 : vector<1x512xf32>, i1
      }
      %swap3A_135 = arith.constant 0 : index
      %swap3A_136 = arith.index_cast %mul3A_65 : i32 to index
      %swap3A_137 = vector.load %arg4[%swap3A_135, %swap3A_136] : memref<8x5120xf32, #tpu.memory_space<vmem>>, vector<1x512xf32>
      tpu.vector_store %arg4[%swap3A_135, %swap3A_136], %while3A_134#0 {strides = array<i32>} : memref<8x5120xf32, #tpu.memory_space<vmem>>, vector<1x512xf32>,
      %add3A_138 = arith.constant 1 : i32
      %add3A_139 = arith.addi %scan3A_63, %add3A_138 : i32
      %while3A_140 = arith.constant 0 : i32
      %while3A_141 = arith.constant 10 : i32
      %while3A_142 = arith.subi %while3A_141, %add3A_139 : i32
      %while3A_143 = arith.addi %add3A_139, %while3A_142 : i32
      %while3A_144 = arith.constant 1 : i32
      %while3A_145 = arith.divsi %while3A_142, %while3A_144 : i32
      %while3A_146 = arith.muli %while3A_145, %while3A_144 : i32
      %while3A_147 = arith.addi %add3A_139, %while3A_146 : i32
      %while3A_148 = arith.constant 1 : i32
      scf.for %while3A_150 = %add3A_139 to %while3A_147 step %while3A_148  : i32 {
        %mul3A_151 = arith.constant 512 : i32
        %mul3A_152 = arith.muli %while3A_150, %mul3A_151 : i32
        %get3A_153 = arith.constant 0 : index
        %get3A_154 = arith.index_cast %mul3A_152 : i32 to index
        %get3A_155 = vector.load %arg7[%get3A_153, %get3A_154] : memref<8x5120xf32, #tpu.memory_space<vmem>>, vector<1x512xf32>
        %get3A_156 = arith.constant 1 : index
        %get3A_157 = arith.index_cast %mul3A_152 : i32 to index
        %get3A_158 = vector.load %arg7[%get3A_156, %get3A_157] : memref<8x5120xf32, #tpu.memory_space<vmem>>, vector<1x512xf32>
        %get3A_159 = arith.constant 2 : index
        %get3A_160 = arith.index_cast %mul3A_152 : i32 to index
        %get3A_161 = vector.load %arg7[%get3A_159, %get3A_160] : memref<8x5120xf32, #tpu.memory_space<vmem>>, vector<1x512xf32>
        %get3A_162 = arith.constant 3 : index
        %get3A_163 = arith.index_cast %mul3A_152 : i32 to index
        %get3A_164 = vector.load %arg7[%get3A_162, %get3A_163] : memref<8x5120xf32, #tpu.memory_space<vmem>>, vector<1x512xf32>
        %get3A_165 = arith.constant 0 : index
        %get3A_166 = arith.index_cast %mul3A_152 : i32 to index
        %get3A_167 = vector.load %arg8[%get3A_165, %get3A_166] : memref<1x5120xf32, #tpu.memory_space<vmem>>, vector<1x512xf32>
        %min3A_168 = vector.broadcast %get3A_161 : vector<1x512xf32> to vector<512x512xf32>
        %min3A_169 = arith.minimumf %add3A_81, %min3A_168 : vector<512x512xf32>
        %max3A_170 = vector.broadcast %get3A_155 : vector<1x512xf32> to vector<512x512xf32>
        %max3A_171 = arith.maximumf %add3A_71, %max3A_170 : vector<512x512xf32>
        %sub3A_172 = arith.subf %min3A_169, %max3A_171 : vector<512x512xf32>
        %max3A_173 = arith.constant 0.000000e+00 : f32
        %max3A_174 = vector.broadcast %max3A_173 : f32 to vector<512x512xf32>
        %max3A_175 = arith.maximumf %sub3A_172, %max3A_174 : vector<512x512xf32>
        %min3A_176 = vector.broadcast %get3A_164 : vector<1x512xf32> to vector<512x512xf32>
        %min3A_177 = arith.minimumf %add3A_86, %min3A_176 : vector<512x512xf32>
        %max3A_178 = vector.broadcast %get3A_158 : vector<1x512xf32> to vector<512x512xf32>
        %max3A_179 = arith.maximumf %add3A_76, %max3A_178 : vector<512x512xf32>
        %sub3A_180 = arith.subf %min3A_177, %max3A_179 : vector<512x512xf32>
        %max3A_181 = arith.constant 0.000000e+00 : f32
        %max3A_182 = vector.broadcast %max3A_181 : f32 to vector<512x512xf32>
        %max3A_183 = arith.maximumf %sub3A_180, %max3A_182 : vector<512x512xf32>
        %mul3A_184 = arith.mulf %max3A_175, %max3A_183 : vector<512x512xf32>
        %add3A_185 = vector.broadcast %get3A_167 : vector<1x512xf32> to vector<512x512xf32>
        %add3A_186 = arith.addf %add3A_91, %add3A_185 : vector<512x512xf32>
        %sub3A_187 = arith.subf %add3A_186, %mul3A_184 : vector<512x512xf32>
        %max3A_188 = arith.constant 9.99999971E-10 : f32
        %max3A_189 = vector.broadcast %max3A_188 : f32 to vector<512x512xf32>
        %max3A_190 = arith.maximumf %sub3A_187, %max3A_189 : vector<512x512xf32>
        %div3A_191 = arith.divf %mul3A_184, %max3A_190 : vector<512x512xf32>
        %gt3A_192 = arith.constant 5.000000e-01 : f32
        %gt3A_193 = vector.broadcast %gt3A_192 : f32 to vector<512x512xf32>
        %gt3A_194 = arith.cmpf ogt, %div3A_191, %gt3A_193 : vector<512x512xf32>
        %convert_element_type3A_195 = arith.extui %gt3A_194 : vector<512x512xi1> to vector<512x512xi32>
        %convert_element_type3A_196 = arith.sitofp %convert_element_type3A_195 : vector<512x512xi32> to vector<512x512xf32>
        %dot_general3A = arith.constant dense<0.000000e+00> : vector<1x512xf32>
        %dot_general3A_197 = tpu.matmul %while3A_134#0, %convert_element_type3A_196, %dot_general3A {dimension_numbers = #tpu.dot_dimension_numbers<[1], [0], [0], [1], [0, 0, 1, 1], [], []>, transpose_lhs_hint = false} : vector<1x512xf32>, vector<512x512xf32>, vector<1x512xf32> -> vector<1x512xf32>
        %get3A_198 = arith.constant 0 : index
        %get3A_199 = arith.index_cast %mul3A_152 : i32 to index
        %get3A_200 = vector.load %arg4[%get3A_198, %get3A_199] : memref<8x5120xf32, #tpu.memory_space<vmem>>, vector<1x512xf32>
        %gt3A_201 = arith.constant 0.000000e+00 : f32
        %gt3A_202 = vector.broadcast %gt3A_201 : f32 to vector<1x512xf32>
        %gt3A_203 = arith.cmpf ogt, %dot_general3A_197, %gt3A_202 : vector<1x512xf32>
        %convert_element_type3A_204 = arith.extui %gt3A_203 : vector<1x512xi1> to vector<1x512xi32>
        %convert_element_type3A_205 = arith.sitofp %convert_element_type3A_204 : vector<1x512xi32> to vector<1x512xf32>
        %sub3A_206 = arith.constant 1.000000e+00 : f32
        %sub3A_207 = vector.broadcast %sub3A_206 : f32 to vector<1x512xf32>
        %sub3A_208 = arith.subf %sub3A_207, %convert_element_type3A_205 : vector<1x512xf32>
        %mul3A_209 = arith.mulf %get3A_200, %sub3A_208 : vector<1x512xf32>
        %swap3A_210 = arith.constant 0 : index
        %swap3A_211 = arith.index_cast %mul3A_152 : i32 to index
        %swap3A_212 = vector.load %arg4[%swap3A_210, %swap3A_211] : memref<8x5120xf32, #tpu.memory_space<vmem>>, vector<1x512xf32>
        tpu.vector_store %arg4[%swap3A_210, %swap3A_211], %mul3A_209 {strides = array<i32>} : memref<8x5120xf32, #tpu.memory_space<vmem>>, vector<1x512xf32>,
      }
      %while3A_149 = arith.constant 1 : i32
      scf.for %while3A_150 = %while3A_147 to %while3A_143 step %while3A_149  : i32 {
        %mul3A_151 = arith.constant 512 : i32
        %mul3A_152 = arith.muli %while3A_150, %mul3A_151 : i32
        %get3A_153 = arith.constant 0 : index
        %get3A_154 = arith.index_cast %mul3A_152 : i32 to index
        %get3A_155 = vector.load %arg7[%get3A_153, %get3A_154] : memref<8x5120xf32, #tpu.memory_space<vmem>>, vector<1x512xf32>
        %get3A_156 = arith.constant 1 : index
        %get3A_157 = arith.index_cast %mul3A_152 : i32 to index
        %get3A_158 = vector.load %arg7[%get3A_156, %get3A_157] : memref<8x5120xf32, #tpu.memory_space<vmem>>, vector<1x512xf32>
        %get3A_159 = arith.constant 2 : index
        %get3A_160 = arith.index_cast %mul3A_152 : i32 to index
        %get3A_161 = vector.load %arg7[%get3A_159, %get3A_160] : memref<8x5120xf32, #tpu.memory_space<vmem>>, vector<1x512xf32>
        %get3A_162 = arith.constant 3 : index
        %get3A_163 = arith.index_cast %mul3A_152 : i32 to index
        %get3A_164 = vector.load %arg7[%get3A_162, %get3A_163] : memref<8x5120xf32, #tpu.memory_space<vmem>>, vector<1x512xf32>
        %get3A_165 = arith.constant 0 : index
        %get3A_166 = arith.index_cast %mul3A_152 : i32 to index
        %get3A_167 = vector.load %arg8[%get3A_165, %get3A_166] : memref<1x5120xf32, #tpu.memory_space<vmem>>, vector<1x512xf32>
        %min3A_168 = vector.broadcast %get3A_161 : vector<1x512xf32> to vector<512x512xf32>
        %min3A_169 = arith.minimumf %add3A_81, %min3A_168 : vector<512x512xf32>
        %max3A_170 = vector.broadcast %get3A_155 : vector<1x512xf32> to vector<512x512xf32>
        %max3A_171 = arith.maximumf %add3A_71, %max3A_170 : vector<512x512xf32>
        %sub3A_172 = arith.subf %min3A_169, %max3A_171 : vector<512x512xf32>
        %max3A_173 = arith.constant 0.000000e+00 : f32
        %max3A_174 = vector.broadcast %max3A_173 : f32 to vector<512x512xf32>
        %max3A_175 = arith.maximumf %sub3A_172, %max3A_174 : vector<512x512xf32>
        %min3A_176 = vector.broadcast %get3A_164 : vector<1x512xf32> to vector<512x512xf32>
        %min3A_177 = arith.minimumf %add3A_86, %min3A_176 : vector<512x512xf32>
        %max3A_178 = vector.broadcast %get3A_158 : vector<1x512xf32> to vector<512x512xf32>
        %max3A_179 = arith.maximumf %add3A_76, %max3A_178 : vector<512x512xf32>
        %sub3A_180 = arith.subf %min3A_177, %max3A_179 : vector<512x512xf32>
        %max3A_181 = arith.constant 0.000000e+00 : f32
        %max3A_182 = vector.broadcast %max3A_181 : f32 to vector<512x512xf32>
        %max3A_183 = arith.maximumf %sub3A_180, %max3A_182 : vector<512x512xf32>
        %mul3A_184 = arith.mulf %max3A_175, %max3A_183 : vector<512x512xf32>
        %add3A_185 = vector.broadcast %get3A_167 : vector<1x512xf32> to vector<512x512xf32>
        %add3A_186 = arith.addf %add3A_91, %add3A_185 : vector<512x512xf32>
        %sub3A_187 = arith.subf %add3A_186, %mul3A_184 : vector<512x512xf32>
        %max3A_188 = arith.constant 9.99999971E-10 : f32
        %max3A_189 = vector.broadcast %max3A_188 : f32 to vector<512x512xf32>
        %max3A_190 = arith.maximumf %sub3A_187, %max3A_189 : vector<512x512xf32>
        %div3A_191 = arith.divf %mul3A_184, %max3A_190 : vector<512x512xf32>
        %gt3A_192 = arith.constant 5.000000e-01 : f32
        %gt3A_193 = vector.broadcast %gt3A_192 : f32 to vector<512x512xf32>
        %gt3A_194 = arith.cmpf ogt, %div3A_191, %gt3A_193 : vector<512x512xf32>
        %convert_element_type3A_195 = arith.extui %gt3A_194 : vector<512x512xi1> to vector<512x512xi32>
        %convert_element_type3A_196 = arith.sitofp %convert_element_type3A_195 : vector<512x512xi32> to vector<512x512xf32>
        %dot_general3A = arith.constant dense<0.000000e+00> : vector<1x512xf32>
        %dot_general3A_197 = tpu.matmul %while3A_134#0, %convert_element_type3A_196, %dot_general3A {dimension_numbers = #tpu.dot_dimension_numbers<[1], [0], [0], [1], [0, 0, 1, 1], [], []>, transpose_lhs_hint = false} : vector<1x512xf32>, vector<512x512xf32>, vector<1x512xf32> -> vector<1x512xf32>
        %get3A_198 = arith.constant 0 : index
        %get3A_199 = arith.index_cast %mul3A_152 : i32 to index
        %get3A_200 = vector.load %arg4[%get3A_198, %get3A_199] : memref<8x5120xf32, #tpu.memory_space<vmem>>, vector<1x512xf32>
        %gt3A_201 = arith.constant 0.000000e+00 : f32
        %gt3A_202 = vector.broadcast %gt3A_201 : f32 to vector<1x512xf32>
        %gt3A_203 = arith.cmpf ogt, %dot_general3A_197, %gt3A_202 : vector<1x512xf32>
        %convert_element_type3A_204 = arith.extui %gt3A_203 : vector<1x512xi1> to vector<1x512xi32>
        %convert_element_type3A_205 = arith.sitofp %convert_element_type3A_204 : vector<1x512xi32> to vector<1x512xf32>
        %sub3A_206 = arith.constant 1.000000e+00 : f32
        %sub3A_207 = vector.broadcast %sub3A_206 : f32 to vector<1x512xf32>
        %sub3A_208 = arith.subf %sub3A_207, %convert_element_type3A_205 : vector<1x512xf32>
        %mul3A_209 = arith.mulf %get3A_200, %sub3A_208 : vector<1x512xf32>
        %swap3A_210 = arith.constant 0 : index
        %swap3A_211 = arith.index_cast %mul3A_152 : i32 to index
        %swap3A_212 = vector.load %arg4[%swap3A_210, %swap3A_211] : memref<8x5120xf32, #tpu.memory_space<vmem>>, vector<1x512xf32>
        tpu.vector_store %arg4[%swap3A_210, %swap3A_211], %mul3A_209 {strides = array<i32>} : memref<8x5120xf32, #tpu.memory_space<vmem>>, vector<1x512xf32>,
      }
    }
    %scan3A_62 = arith.constant 10 : i32
    return
  }
}

module attributes {stable_mosaic.version = 14 : i64} {
  func.func @_mask_body(%arg0: i32, %arg1: memref<1000x256xf32, #tpu.memory_space<vmem>>, %arg2: memref<1000x8xf32, #tpu.memory_space<vmem>>, %arg3: memref<1000x1xf32, #tpu.memory_space<vmem>>, %arg4: memref<1x8xf32, #tpu.memory_space<vmem>>, %arg5: memref<1000x256xf32, #tpu.memory_space<vmem>>, %arg6: memref<1000x8xf32, #tpu.memory_space<vmem>>) attributes {dimension_semantics = [#tpu.dimension_semantics<arbitrary>], iteration_bounds = array<i64: 5>, scalar_prefetch = 0 : i64, scratch_operands = 0 : i64, tpu.core_type = #tpu.core_type<tc>, window_params = [{transform_indices = @transform_0, window_bounds = array<i64: 1000, 256>}, {transform_indices = @transform_1, window_bounds = array<i64: 1000, 8>}, {transform_indices = @transform_2, window_bounds = array<i64: 1000, 1>}, {pipeline_mode = #tpu.pipeline_mode<synchronous>, transform_indices = @transform_3, window_bounds = array<i64: 1, 8>}, {transform_indices = @transform_4, window_bounds = array<i64: 1000, 256>}, {transform_indices = @transform_5, window_bounds = array<i64: 1000, 8>}]} {
    %get3A = arith.constant 0 : index
    %get3A_0 = arith.constant 0 : index
    %get3A_1 = vector.load %arg3[%get3A, %get3A_0] : memref<1000x1xf32, #tpu.memory_space<vmem>>, vector<1000x1xf32>
    %get3A_2 = arith.constant 0 : index
    %get3A_3 = arith.constant 0 : index
    %get3A_4 = vector.load %arg1[%get3A_2, %get3A_3] : memref<1000x256xf32, #tpu.memory_space<vmem>>, vector<1000x256xf32>
    %mul3A = vector.broadcast %get3A_1 : vector<1000x1xf32> to vector<1000x256xf32>
    %mul3A_5 = arith.mulf %get3A_4, %mul3A : vector<1000x256xf32>
    %swap3A = arith.constant 0 : index
    %swap3A_6 = arith.constant 0 : index
    %swap3A_7 = vector.load %arg5[%swap3A, %swap3A_6] : memref<1000x256xf32, #tpu.memory_space<vmem>>, vector<1000x256xf32>
    tpu.vector_store %arg5[%swap3A, %swap3A_6], %mul3A_5 {strides = array<i32>} : memref<1000x256xf32, #tpu.memory_space<vmem>>, vector<1000x256xf32>,
    %get3A_8 = arith.constant 0 : index
    %get3A_9 = arith.constant 0 : index
    %get3A_10 = vector.load %arg2[%get3A_8, %get3A_9] : memref<1000x8xf32, #tpu.memory_space<vmem>>, vector<1000x8xf32>
    %get3A_11 = arith.constant 0 : index
    %get3A_12 = arith.constant 0 : index
    %get3A_13 = vector.load %arg4[%get3A_11, %get3A_12] : memref<1x8xf32, #tpu.memory_space<vmem>>, vector<1x8xf32>
    %mul3A_14 = vector.broadcast %get3A_13 : vector<1x8xf32> to vector<1000x8xf32>
    %mul3A_15 = arith.mulf %get3A_10, %mul3A_14 : vector<1000x8xf32>
    %mul3A_16 = vector.broadcast %get3A_1 : vector<1000x1xf32> to vector<1000x8xf32>
    %mul3A_17 = arith.mulf %mul3A_15, %mul3A_16 : vector<1000x8xf32>
    %swap3A_18 = arith.constant 0 : index
    %swap3A_19 = arith.constant 0 : index
    %swap3A_20 = vector.load %arg6[%swap3A_18, %swap3A_19] : memref<1000x8xf32, #tpu.memory_space<vmem>>, vector<1000x8xf32>
    tpu.vector_store %arg6[%swap3A_18, %swap3A_19], %mul3A_17 {strides = array<i32>} : memref<1000x8xf32, #tpu.memory_space<vmem>>, vector<1000x8xf32>,
    return
  }
  func.func @transform_0(%arg0: i32) -> (i32, i32) {
    %c0_i32 = arith.constant 0 : i32
    %c0_i32_0 = arith.constant 0 : i32
    return %arg0, %c0_i32 : i32, i32
  }
  func.func @transform_1(%arg0: i32) -> (i32, i32) {
    %c0_i32 = arith.constant 0 : i32
    %c0_i32_0 = arith.constant 0 : i32
    return %arg0, %c0_i32 : i32, i32
  }
  func.func @transform_2(%arg0: i32) -> (i32, i32) {
    %c0_i32 = arith.constant 0 : i32
    %c0_i32_0 = arith.constant 0 : i32
    return %arg0, %c0_i32 : i32, i32
  }
  func.func @transform_3(%arg0: i32) -> (i32, i32) {
    %c0_i32 = arith.constant 0 : i32
    %c0_i32_0 = arith.constant 0 : i32
    %c0_i32_1 = arith.constant 0 : i32
    return %c0_i32, %c0_i32_0 : i32, i32
  }
  func.func @transform_4(%arg0: i32) -> (i32, i32) {
    %c0_i32 = arith.constant 0 : i32
    %c0_i32_0 = arith.constant 0 : i32
    return %arg0, %c0_i32 : i32, i32
  }
  func.func @transform_5(%arg0: i32) -> (i32, i32) {
    %c0_i32 = arith.constant 0 : i32
    %c0_i32_0 = arith.constant 0 : i32
    return %arg0, %c0_i32 : i32, i32
  }
}

</mosaic_0001>

<sc_bundles>
// kernel: gather_offload_async_start
scs
__scs_entry_jumppad:
0x0: {  	(pc) =	sbr.rel $0x88, $3  }
0x1: {  	(tag) =	ssettag $0x0;
	lr =	simm.s32 $0x1  }
0x2: {  	[smem:$0x3F9D] =	sst lr;
	_ =	strace $0xD0000000  }
0x3: {  	_ = 	snop  }
0x4: {  	_ = 	snop  }
0x5: {  	_ = 	snop  }
0x6: {  	_ = 	snop  }
0x7: {  	_ = 	snop  }
__scs_overlays_trampoline_lowered:
0x8: {  	[smem:$0x3FAC] =	sst s0  }
0x9: {  	[smem:$0x3FAD] =	sst s1  }
0xa: {  	[smem:$0x3FAE] =	sst s2  }
0xb: {  	[smem:$0x3FAF] =	sst s3  }
0xc: {  	[smem:$0x3FB0] =	sst s4  }
0xd: {  	[smem:$0x3FB1] =	sst s5  }
0xe: {  	[smem:$0x3FB2] =	sst s6  }
0xf: {  	[smem:$0x3FB3] =	sst s7  }
0x10: {  	[smem:$0x3FB4] =	sst s8  }
0x11: {  	[smem:$0x3FB5] =	sst s9;
	s0 =	simm.s32 @!p0 $0x0  }
0x12: {  	s1 =	sld [smem:$0x3F9B];
	s0 =	simm.s32 @p0 $0x1  }
0x13: {  	[smem:$0x3FB6] =	sst s0;
	s0 =	simm.s32 @!p1 $0x0  }
0x14: {  	s2 =	sld [smem:$0x3F9A];
	s0 =	simm.s32 @p1 $0x1  }
0x15: {  	[smem:$0x3FB7] =	sst s0;
	s0 =	simm.s32 @!p2 $0x0  }
0x16: {  	s3 =	sld [smem:$0x3FDB];
	s0 =	simm.s32 @p2 $0x1  }
0x17: {  	s4 =	simm.s32 $0x1BF5;
	[smem:$0x3FB9] =	sst s0  }
0x18: {  	s0 =	sld [smem:$0x3F9C];
	_ =	swait.ge [sflag:s4], $0x0  }
0x19: {  	s7 =	sld [smem:$0x3F9D]  }
0x1a: {  	s8 =	sadd.s32 $0xFFFFE003, lr  }
0x1b: {  	s9 =	sadd.s32 $0xFFFFFEF7, lr;
	s5 =	simm.s32 $0xFFFFFFFF;
	p2 =	slt.u32 s8, $0xFFFFF086  }
0x1c: {  	p1 =	slt.u32 s9, $0xF7A;
	s5 =	simm.s32 @!p2 $0x0  }
0x1d: {  	s5 =	simm.s32 @p1 $0x1;
	p0 =	seq.s32 s7, s2  }
0x1e: {  	s7 =	smul.u32 @!p0 $0xF7A, s2;
	p2 =	seq.s32 @!p0 s5, $0x0  }
0x1f: {  	s9 =	smul.u32 $0xF7A, s1;
	s8 =	simm.s32 @!p0 $0x1BF5;
	p2 =	por !p2, p0  }
0x20: {  	[sflag:s8] =	ssyncset.s32 @!p0 $0xFFFFF086;
	s6 =	sadd.s32 @!p0 s3, s7;
	s7 =	simm.s32 @!p0 $0x108  }
0x21: {  	s3 =	sadd.s32 s3, s9;
	s6 =	sadd.s32 @!p0 $0x88, s6;
	s7 =	simm.s32 @p2 $0x1082  }
0x22: {  	[simem:s7], [sflag:s8] =	dma.local @!p0 [hbm:s6], $0xF7A  }
0x23: {  	s9 =	sor.u32 $0xD0000000, s2;
	s6 =	simm.s32 $0x108;
	_ =	swait.ge @!p0 [sflag:s8], $0x0  }
0x24: {  	s3 =	sadd.s32 $0x88, s3;
	s6 =	simm.s32 @!p1 $0x1082;
	[sflag:s4] =	ssyncset.s32 $0xFFFFF086  }
0x25: {  	[simem:s6], [sflag:s4] =	dma.local [hbm:s3], $0xF7A  }
0x26: {  	[smem:$0x3F9D] =	sst s1;
	(tag) =	ssettag s2;
	_ =	strace s9  }
0x27: {  	s1 =	sld [smem:$0x3FAD]  }
0x28: {  	s2 =	sld [smem:$0x3FAE]  }
0x29: {  	s4 =	sld [smem:$0x3FB0]  }
0x2a: {  	p0 =	seq.s32 s5, $0x0;
	s5 =	sld [smem:$0x3FB1]  }
0x2b: {  	s6 =	sld [smem:$0x3FB2]  }
0x2c: {  	s7 =	sld [smem:$0x3FB3]  }
0x2d: {  	s3 =	simm.s32 $0x108;
	s8 =	sld [smem:$0x3FB4]  }
0x2e: {  	s3 =	simm.s32 @!p0 $0x1082;
	s9 =	sld [smem:$0x3FB5]  }
0x2f: {  	lr =	sadd.s32 s0, s3;
	s0 =	sld [smem:$0x3FAC]  }
0x30: {  	s3 =	sld [smem:$0x3FAF]  }
0x31: {  	[smem:$0x3FB8] =	sst s10  }
0x32: {  	s10 =	sld [smem:$0x3FB6];
	_ =	sdelay $0x3  }
0x33: {  	p0 =	seq.s32 s10, $0x1;
	s10 =	sld [smem:$0x3FB8];
	_ =	sdelay $0x3  }
0x34: {  	[smem:$0x3FB8] =	sst s10  }
0x35: {  	s10 =	sld [smem:$0x3FB7];
	_ =	sdelay $0x3  }
0x36: {  	p1 =	seq.s32 s10, $0x1;
	s10 =	sld [smem:$0x3FB8];
	_ =	sdelay $0x3  }
0x37: {  	[smem:$0x3FB8] =	sst s10  }
0x38: {  	s10 =	sld [smem:$0x3FB9]  }
0x39: {  	_ = 	snop;
	(pc) =	sbr.ind lr, $3  }
0x3a: {  	_ = 	snop  }
0x3b: {  	_ = 	snop  }
0x3c: {  	p2 =	seq.s32 s10, $0x1;
	s10 =	sld [smem:$0x3FB8]  }
0x3d: {  	_ =	shalt  }
0x3e: {  	_ =	shalt  }
0x3f: {  	_ =	shalt  }
0x40: {  	_ =	shalt  }
0x41: {  	_ =	shalt  }
0x42: {  	_ =	shalt  }
0x43: {  	_ =	shalt  }
0x44: {  	_ =	shalt  }
0x45: {  	_ =	shalt  }
0x46: {  	_ =	shalt  }
0x47: {  	_ =	shalt  }
0x48: {  	_ =	shalt  }
0x49: {  	_ =	shalt  }
0x4a: {  	_ =	shalt  }
0x4b: {  	_ =	shalt  }
0x4c: {  	_ =	shalt  }
0x4d: {  	_ =	shalt  }
0x4e: {  	_ =	shalt  }
0x4f: {  	_ =	shalt  }
0x50: {  	_ =	shalt  }
0x51: {  	_ =	shalt  }
0x52: {  	_ =	shalt  }
0x53: {  	_ =	shalt  }
0x54: {  	_ =	shalt  }
0x55: {  	_ =	shalt  }
0x56: {  	_ =	shalt  }
0x57: {  	_ =	shalt  }
0x58: {  	_ =	shalt  }
0x59: {  	_ =	shalt  }
0x5a: {  	_ =	shalt  }
0x5b: {  	_ =	shalt  }
0x5c: {  	_ =	shalt  }
0x5d: {  	_ =	shalt  }
0x5e: {  	_ =	shalt  }
0x5f: {  	_ =	shalt  }
0x60: {  	_ =	shalt  }
0x61: {  	_ =	shalt  }
0x62: {  	_ =	shalt  }
0x63: {  	_ =	shalt  }
0x64: {  	_ =	shalt  }
0x65: {  	_ =	shalt  }
0x66: {  	_ =	shalt  }
0x67: {  	_ =	shalt  }
0x68: {  	_ =	shalt  }
0x69: {  	_ =	shalt  }
0x6a: {  	_ =	shalt  }
0x6b: {  	_ =	shalt  }
0x6c: {  	_ =	shalt  }
0x6d: {  	_ =	shalt  }
0x6e: {  	_ =	shalt  }
0x6f: {  	_ =	shalt  }
0x70: {  	_ =	shalt  }
0x71: {  	_ =	shalt  }
0x72: {  	_ =	shalt  }
0x73: {  	_ =	shalt  }
0x74: {  	_ =	shalt  }
0x75: {  	_ =	shalt  }
0x76: {  	_ =	shalt  }
0x77: {  	_ =	shalt  }
0x78: {  	_ =	shalt  }
0x79: {  	_ =	shalt  }
0x7a: {  	_ =	shalt  }
0x7b: {  	_ =	shalt  }
0x7c: {  	_ =	shalt  }
0x7d: {  	_ =	shalt  }
0x7e: {  	_ =	shalt  }
0x7f: {  	_ =	shalt  }
0x80: {  	_ =	shalt  }
0x81: {  	_ =	shalt  }
0x82: {  	_ =	shalt  }
0x83: {  	_ =	shalt  }
0x84: {  	_ =	shalt  }
0x85: {  	_ =	shalt  }
0x86: {  	_ =	shalt  }
0x87: {  	_ =	shalt  }
.Lfunc_end0:
.L_simem_size_0:
called_computation_lowered:
.L_overlay_start_0:
0x88: {  	s2 =	sld [smem:$0x3FD9]  }
0x89: {  	s3 =	sld [smem:$0x3FFE];
	_ =	sdelay $0x1  }
0x8a: {  	s1 =	srdreg.scid  }
0x8b: {  	s0 =	sand.u32 $0x1, s1  }
0x8c: {  	s14 =	sshll.u32 s0, $0xA;
	s2 =	sadd.s32 s3, s2  }
0x8d: {  	s2 =	sadd.s32 s2, s14  }
0x8e: {  	[smem:$0x3FC4] =	sst s2  }
0x8f: {  	_ = 	snop  }
0x90: {  	s2 =	sld [smem:$0x3FD0];
	_ =	sdelay $0x2  }
0x91: {  	s15 =	simm.s32 $0xA;
	s4 =	simm.s32 $0x10  }
0x92: {  	[smem:s4], [sflag:s15] =	dma.local [hbm:s2], $0x1  }
0x93: {  	_ =	swait.eq [sflag:s15], $0x1  }
0x94: {  	[sflag:s15] =	ssyncset.done $0x0  }
0x95: {  	s16 =	sld [smem:$0x10];
	[sflag:s15] =	ssyncadd.s32 $0xFFFFFFFF  }
0x96: {  	s17 =	sld [smem:$0x11];
	(tm) =	ssettm $0x1  }
0x97: {  	s18 =	sld [smem:$0x3FFB];
	_ =	sdelay $0x3  }
0x98: {  	_ =	strace s18  }
0x99: {  	s4 =	sld [smem:$0x3FFC];
	_ =	sdelay $0x3  }
0x9a: {  	_ =	strace s4  }
0x9b: {  	s4 =	sld [smem:$0x3FFD];
	_ =	sdelay $0x3  }
0x9c: {  	_ =	strace s4  }
0x9d: {  	_ =	strace $0x8FFFFFFF  }
0x9e: {  	s19 =	sld [smem:$0x3FDB];
	_ =	sdelay $0x1  }
0x9f: {  	s5 =	simm.s32 $_scs_section_size  }
0xa0: {  	s6 =	simm.s32 $_size__tile_overlayer_lowered;
	s7 =	simm.s32 $_tile_overlayer_lowered  }
0xa1: {  	s22 =	simm.s32 $0x1BFF;
	s21 =	sshll.u32 s7, $0x1;
	s4 =	sadd.s32 s5, s19  }
0xa2: {  	s8 =	simm.s32 $0x0;
	s20 =	sshll.u32 s6, $0x1;
	s6 =	sadd.s32 s21, s4  }
0xa3: {  	[timem:s8], [sflag:s22] =	dma.local [hbm:s6], s20  }
0xa4: {  	_ =	swait.ge [sflag:s22], s20  }
0xa5: {  	s5 =	ssub.s32 $0x0, s20;
	[sflag:s22] =	ssyncset.done $0x0  }
0xa6: {  	[sflag:s22] =	ssyncadd.s32 s5;
	_ =	sdelay $0x1  }
0xa7: {  	s23 =	simm.s32 $0x1B8B  }
0xa8: {  	_ =	swait.ge [sflag:s23], $0x1  }
0xa9: {  	[sflag:s23] =	ssyncset.done $0x0  }
0xaa: {  	s25 =	simm.s32 $0x1B8E;
	s24 =	sld [smem:$0x3FFE];
	[sflag:s23] =	ssyncadd.s32 $0xFFFFFFFF  }
0xab: {  	s26 =	simm.s32 $execute0_lowered;
	[smem:$0x3FD2] =	sst s25  }
0xac: {  	s6 =	sshll.u32 s26, $0x1;
	_ =	strace $0x80000046;
	[dreg:$0x1] =	wrdreg $0xFFFFFFFF  }
0xad: {  	s28 =	simm.s32 $_size_execute0_lowered;
	s4 =	sadd.s32 s4, s6;
	[dreg:$0x0] =	wrdreg $0x0  }
0xae: {  	s6 =	sshll.u32 s28, $0x1;
	[dreg:$0x2] =	wrdreg s4  }
0xaf: {  	[dreg:$0x3] =	wrdreg s6  }
0xb0: {  	[dreg:$0x4] =	wrdreg $0xC0  }
0xb1: {  	_ =	task [dreg:s8], $0x5FFFF  }
0xb2: {  	[dreg:$0x1] =	wrdreg $0xFFFFFFFF  }
0xb3: {  	[dreg:$0x0] =	wrdreg $0x60  }
0xb4: {  	[dreg:$0x2] =	wrdreg s16  }
0xb5: {  	[dreg:$0x3] =	wrdreg s17  }
0xb6: {  	[dreg:$0x4] =	wrdreg s24  }
0xb7: {  	[dreg:$0x5] =	wrdreg $0x9  }
0xb8: {  	_ =	task.clear_ibuf [dreg:s8], $0x6FFFF;
	_ =	strace $0x90000046  }
0xb9: {  	s29 =	simm.s32 $0x9;
	_ =	strace $0x80000048  }
0xba: {  	_ =	swait.ge [sflag:s29], $0x1  }
0xbb: {  	[sflag:s29] =	ssyncadd.s32 $0xFFFFFFFF  }
0xbc: {  	_ =	strace $0x90000048  }
0xbd: {  	_ =	sfence  }
0xbe: {  	s30 =	sld [smem:$0x0];
	_ =	sdelay $0x2  }
0xbf: {  	s31 =	sshll.u32 s1, $0xD;
	s1 =	sshrl.u32 s1, $0x2  }
0xc0: {  	s3 =	sand.u32 $0x4000, s31;
	s1 =	sadd.s32 s1, s30  }
0xc1: {  	s0 =	sor.u32 s3, s0;
	s1 =	sshll.u32 s1, $0x11  }
0xc2: {  	s0 =	sor.u32 s1, s0  }
0xc3: {  	s0 =	sadd.s32 $0x8F2B, s0  }
0xc4: {  	[sflag:s0] =	ssyncadd.remote.s32 $0x1  }
0xc5: {  	_ =	sfence.sel $0xFFFF  }
0xc6: {  	[dreg:$0x0] =	wrdreg $0xFFFFFFFF;
	(pc) =	sbr.abs _section_cstart, $3  }
0xc7: {  	[dreg:$0x1] =	wrdreg $0xFFFFFFFF  }
0xc8: {  	_ =	task.clear_ibuf [dreg:s8], $0x2FFFF;
	_ =	strace $0x9FFFFFFF  }
0xc9: {  	(tm) =	ssettm $0x7FFFFFFF  }
tec
execute0_lowered:
.L_overlay_start_1:
0x0: {  	(tag) =	ssettag $0x1  }
0x1: {  	s0 =	srdreg.scid  }
0x2: {  	s1 =	sshll.u32 s0, $0x4  }
0x3: {  	s0 =	stileid.u32;
	s1 =	sand.u32 $0x10, s1  }
0x4: {  	s4 =	rddreg [dreg:$0x1];
	s1 =	sor.u32 s0, s1  }
0x5: {  	s9 =	rddreg [dreg:$0x2];
	s2 =	smin.u32 s1, $0x8  }
0x6: {  	p0 =	slt.u32 s1, $0x8;
	s3 =	sadd.s32 s1, s2;
	s1 =	simm.s32 $0x100  }
0x7: {  	s6 =	simm.s32 $0x1;
	s3 =	sshll.u32 s3, $0x7;
	s1 =	simm.s32 @!p0 $0x80  }
0x8: {  	s7 =	simm.s32 $0x2;
	s10 =	simm.s32 $0x3;
	s1 =	sadd.s32 s1, s3  }
0x9: {  	s13 =	simm.s32 $0x0;
	s12 =	simm.s32 $0x0;
	s5 =	smin.u32 s1, $0x1400  }
.Ltmp0:
0xa: {  	s2 =	rddreg [dreg:$0x0];
	s8 =	ssub.s32 s5, s3;
	(pc) =	sbr.rel .LBB2_1-.Ltmp0, $4  }
0xb: {  	s1 =	rddreg [dreg:$0x3];
	_ =	strace $0x80000047;
	p0 =	sgt.s32 s8, $0x0  }
0xc: {  	s9 =	sadd.s32 $0x400, s9;
	[sflag:s6] =	ssyncpa.u1 $0x0;
	s8 =	simm.s32 @!p0 $0x0  }
0xd: {  	s11 =	smov.u32 s3;
	[sflag:s7] =	ssyncpa.u1 $0x0;
	s8 =	sshrl.u32 s8, $0x7  }
0xe: {  	vm0 =	vmmov $0xff;
	vm1 =	vcmask $0x3F20;
	[sflag:s10] =	ssyncpa.u1 $0x0;
	p0 =	por $0x0, $0x0;
	s10 =	sadd.s32 $0x1, s8  }
.LBB2_6:
0xf: {  	[hbm:s17] =	stream.linear.scatter [tilespmem:s14], [sflag:$0x3], $0x400, $0x38;
	[tilespmem:$0x8100] =	vst v63  }
.LBB2_7:
0x10: {  	s13 =	sadd.s32 $0x80, s11  }
0x11: {  	s15 =	smov.u32 s3;
	p2 =	slt.s32 s13, s5  }
0x12: {  	s15 =	smov.u32 @p2 s13;
	p2 =	sne.s32 s12, s10  }
.Ltmp1:
0x13: {  	p1 =	slt.u32 s12, $0x2;
	(pc) =	sbr.rel @!p2 .LBB2_8-.Ltmp1, $4  }
0x14: {  	s14 =	simm.s32 @!p1 $0x3  }
0x15: {  	s16 =	sadd.s32 $0x1, s12;
	_ =	swait.ge @!p1 [sflag:s14], $0x4000  }
0x16: {  	p0 =	por !p0, !p0;
	s13 =	smov.u32 s11;
	[sflag:s14] =	ssyncset.done @!p1 $0x0  }
0x17: {  	s12 =	smov.u32 s16;
	s11 =	smov.u32 s15;
	[sflag:s14] =	ssyncadd.s32 @!p1 $0xFFFFC000  }
.LBB2_1:
0x18: {  	p1 =	sge.u32 s12, s8  }
0x19: {  	s14 =	sxor.u32 @!p1 $0xFFFFFFFF, s12  }
0x1a: {  	s31 =	sadd.s32 $0xFFFFFFFF, s12;
	s15 =	sshrl.u32 @!p1 s11, $0x3;
	s14 =	sshll.u32 @!p1 s14, $0x7  }
0x1b: {  	s16 =	sand.u32 @!p1 $0x7, s11;
	s15 =	sadd.s32 @!p1 s4, s15;
	s14 =	sand.u32 @!p1 $0x80, s14  }
0x1c: {  	[tilespmem:s14], [sflag:$0x2] =	stream.linear.gather @!p1 [hbm4b:s15+s16], $0x80, $0x38;
	[tilespmem:$0x8100] =	vst v63  }
0x1d: {  	p1 =	sge.u32 s31, s8  }
.Ltmp2:
0x1e: {  	_ = 	snop;
	(pc) =	sbr.rel @p1 .LBB2_7-.Ltmp2, $1  }
0x1f: {  	_ =	sdelay $0x3  }
0x20: {  	s14 =	simm.s32 $0x1  }
0x21: {  	_ =	swait.ge [sflag:s7], $0x80;
	s14 =	simm.s32 @!p0 $0x0  }
0x22: {  	[sflag:s7] =	ssyncset.done $0x0;
	s16 =	sshll.u32 s14, $0x7  }
0x23: {  	[sflag:s7] =	ssyncadd.s32 $0xFFFFFF80;
	s15 =	sadd.s32 $0x0, s16  }
0x24: {  	v0 =	vld.msk [tilespmem:s15+$0x0 ss:$0x1], $0xffff;
	_ =	sdelay $0x4  }
0x25: {  	vm2 =	vgt.s32 v0, $0x0  }
0x26: {  	v0 =	vnsel vm2, $0x0, v0  }
0x27: {  	v0 =	vmin.u32 v0, $0x13FF  }
0x28: {  	v0 =	vshll.u32 v0, $0x4;
	_ =	sdelay $0x2  }
0x29: {  	s14 =	sshll.u32 s14, $0xE  }
0x2a: {  	s14 =	sor.u32 $0x100, s14  }
0x2b: {  	[tilespmem:s14], [sflag:$0x1] =	stream.indirect_vreg.gather [hbm:s2], $0x80, v0, vm0, $0x38;
	[tilespmem:$0x8100] =	vst v63  }
0x2c: {  	s17 =	sadd.s32 $0x10, s16;
	s15 =	sadd.s32 $0x400, s14  }
0x2d: {  	[tilespmem:s15], [sflag:$0x1] =	stream.indirect_vreg.gather [hbm:s2], $0x80, v0, vm1, $0x38;
	[tilespmem:$0x8100] =	vst v63  }
0x2e: {  	s18 =	simm.s32 $0x80;
	v0 =	vld.msk [tilespmem:s17+$0x0 ss:$0x1], $0xffff;
	s17 =	smov.u32 s14  }
.LBB2_3:
0x2f: {  	p1 =	sne.s32 s18, $0x1C0;
	_ =	sdelay $0x4  }
0x30: {  	vm2 =	vgt.s32 v0, $0x0  }
0x31: {  	v0 =	vnsel vm2, $0x0, v0  }
0x32: {  	v0 =	vmin.u32 v0, $0x13FF  }
0x33: {  	v0 =	vshll.u32 v0, $0x4;
	_ =	sdelay $0x3  }
.Ltmp3:
0x34: {  	s19 =	sshra.s32 s18, $0x2;
	s17 =	sadd.s32 $0x800, s17;
	(pc) =	sbr.rel @p1 .LBB2_3-.Ltmp3, $4  }
0x35: {  	[tilespmem:s17], [sflag:$0x1] =	stream.indirect_vreg.gather [hbm:s2], $0x80, v0, vm0, $0x38;
	[tilespmem:$0x8100] =	vst v63  }
0x36: {  	s19 =	sadd.s32 s19, s16;
	s20 =	sadd.s32 $0x400, s17  }
0x37: {  	[tilespmem:s20], [sflag:$0x1] =	stream.indirect_vreg.gather [hbm:s2], $0x80, v0, vm1, $0x38;
	[tilespmem:$0x8100] =	vst v63  }
0x38: {  	s18 =	sadd.s32 $0x40, s18;
	v0 =	vld.msk [tilespmem:s19+$0x0 ss:$0x1], $0xffff  }
0x39: {  	_ =	sdelay $0x3  }
0x3a: {  	vm2 =	vgt.s32 v0, $0x0  }
0x3b: {  	v0 =	vnsel vm2, $0x0, v0  }
0x3c: {  	v0 =	vmin.u32 v0, $0x13FF  }
0x3d: {  	v0 =	vshll.u32 v0, $0x4;
	_ =	sdelay $0x3  }
0x3e: {  	s16 =	sadd.s32 $0x800, s17  }
0x3f: {  	[tilespmem:s16], [sflag:$0x1] =	stream.indirect_vreg.gather [hbm:s2], $0x80, v0, vm0, $0x38;
	[tilespmem:$0x8100] =	vst v63  }
0x40: {  	s16 =	sadd.s32 $0x400, s16  }
0x41: {  	[tilespmem:s16], [sflag:$0x1] =	stream.indirect_vreg.gather [hbm:s2], $0x80, v0, vm1, $0x38;
	[tilespmem:$0x8100] =	vst v63  }
0x42: {  	s13 =	sshll.u32 s13, $0x4;
	_ =	swait.ge [sflag:s6], $0x4000  }
0x43: {  	s13 =	sadd.s32 s13, s9;
	[sflag:s6] =	ssyncset.done $0x0  }
0x44: {  	s17 =	sadd.s32 $0x0, s13;
	s16 =	simm.s32 $0x80;
	[sflag:s6] =	ssyncadd.s32 $0xFFFFC000  }
.LBB2_5:
0x45: {  	[hbm:s17] =	stream.linear.scatter [tilespmem:s14], [sflag:$0x3], $0x400, $0x38;
	[tilespmem:$0x8100] =	vst v63  }
0x46: {  	s17 =	smov.u32 s16;
	s14 =	smov.u32 s15;
	p1 =	sne.s32 s16, $0x780  }
.Ltmp4:
0x47: {  	s16 =	sadd.s32 $0x80, s16;
	(pc) =	sbr.rel @p1 .LBB2_5-.Ltmp4, $2  }
0x48: {  	_ =	sdelay $0x2  }
0x49: {  	s15 =	sadd.s32 $0x400, s15;
	s17 =	sadd.s32 s17, s13  }
.Ltmp5:
0x4a: {  	_ = 	snop;
	(pc) =	sbr.rel .LBB2_6-.Ltmp5, $1  }
0x4b: {  	_ =	sdelay $0x3  }
.LBB2_8:
0x4c: {  	_ =	sfence.sel $0x180000  }
0x4d: {  	s2 =	simm.s32 $0x2;
	[bflag:$0x0] =	sbarrier.arrive $0xFFFF  }
0x4e: {  	s30 =	simm.s32 $0x3;
	[sflag:s2] =	ssyncpa.u1 $0x1  }
0x4f: {  	s31 =	simm.s32 $0x1;
	[sflag:s30] =	ssyncpa.u1 $0x1  }
0x50: {  	[sflag:s31] =	ssyncpa.u1 $0x1  }
0x51: {  	p0 =	sne.s32 s0, $0x0;
	_ =	strace $0x90000047  }
0x52: {  	s0 =	sadd.s32 @!p0 $0x100000, s1;
	[bflag:$0x2] =	sbarrier.arrive $0xFFFF  }
0x53: {  	[sflag:s0] =	ssyncadd.tile.s32 @!p0 $0x1;
	_ =	shalt  }
.Lfunc_end2:
_tile_overlayer_lowered:
.L_overlay_start_2:
0x54: {  	(tag) =	ssettag $0x2  }
0x55: {  	s0 =	rddreg [dreg:$0x0];
	s2 =	stileid.u32  }
0x56: {  	s1 =	rddreg [dreg:$0x1];
	p0 =	sne.s32 s2, $0x0  }
0x57: {  	s3 =	rddreg [dreg:$0x2];
	[bflag:$0x3] =	sbarrier.arrive $0xFFFF;
	s2 =	simm.s32 @!p0 $0x1C01  }
0x58: {  	[timem:s3], [sflag:s2] =	dma.local @!p0 [hbm:s0], s1  }
0x59: {  	s0 =	simm.s32 @!p0 $0x1  }
0x5a: {  	_ =	swait.ge @!p0 [sflag:s0], s1  }
0x5b: {  	s1 =	ssub.s32 @!p0 $0x0, s1;
	[sflag:s0] =	ssyncset.done @!p0 $0x0  }
0x5c: {  	[sflag:s0] =	ssyncadd.s32 @!p0 s1  }
0x5d: {  	[bflag:$0x3] =	sbarrier.arrive $0xFFFF  }
0x5e: {  	_ =	shalt  }

// kernel: kernel.5.cloned.1.call-start
scs
__scs_entry_jumppad:
0x0: {  	(pc) =	sbr.rel $0x88, $3  }
0x1: {  	(tag) =	ssettag $0x0;
	lr =	simm.s32 $0x1  }
0x2: {  	[smem:$0x3F9D] =	sst lr;
	_ =	strace $0xD0000000  }
0x3: {  	_ = 	snop  }
0x4: {  	_ = 	snop  }
0x5: {  	_ = 	snop  }
0x6: {  	_ = 	snop  }
0x7: {  	_ = 	snop  }
__scs_overlays_trampoline_lowered:
0x8: {  	[smem:$0x3FAC] =	sst s0  }
0x9: {  	[smem:$0x3FAD] =	sst s1  }
0xa: {  	[smem:$0x3FAE] =	sst s2  }
0xb: {  	[smem:$0x3FAF] =	sst s3  }
0xc: {  	[smem:$0x3FB0] =	sst s4  }
0xd: {  	[smem:$0x3FB1] =	sst s5  }
0xe: {  	[smem:$0x3FB2] =	sst s6  }
0xf: {  	[smem:$0x3FB3] =	sst s7  }
0x10: {  	[smem:$0x3FB4] =	sst s8  }
0x11: {  	[smem:$0x3FB5] =	sst s9;
	s0 =	simm.s32 @!p0 $0x0  }
0x12: {  	s1 =	sld [smem:$0x3F9B];
	s0 =	simm.s32 @p0 $0x1  }
0x13: {  	[smem:$0x3FB6] =	sst s0;
	s0 =	simm.s32 @!p1 $0x0  }
0x14: {  	s2 =	sld [smem:$0x3F9A];
	s0 =	simm.s32 @p1 $0x1  }
0x15: {  	[smem:$0x3FB7] =	sst s0;
	s0 =	simm.s32 @!p2 $0x0  }
0x16: {  	s3 =	sld [smem:$0x3FDB];
	s0 =	simm.s32 @p2 $0x1  }
0x17: {  	s4 =	simm.s32 $0x1BF5;
	[smem:$0x3FB9] =	sst s0  }
0x18: {  	s0 =	sld [smem:$0x3F9C];
	_ =	swait.ge [sflag:s4], $0x0  }
0x19: {  	s7 =	sld [smem:$0x3F9D]  }
0x1a: {  	s8 =	sadd.s32 $0xFFFFE003, lr  }
0x1b: {  	s9 =	sadd.s32 $0xFFFFFEF7, lr;
	s5 =	simm.s32 $0xFFFFFFFF;
	p2 =	slt.u32 s8, $0xFFFFF086  }
0x1c: {  	p1 =	slt.u32 s9, $0xF7A;
	s5 =	simm.s32 @!p2 $0x0  }
0x1d: {  	s5 =	simm.s32 @p1 $0x1;
	p0 =	seq.s32 s7, s2  }
0x1e: {  	s7 =	smul.u32 @!p0 $0xF7A, s2;
	p2 =	seq.s32 @!p0 s5, $0x0  }
0x1f: {  	s9 =	smul.u32 $0xF7A, s1;
	s8 =	simm.s32 @!p0 $0x1BF5;
	p2 =	por !p2, p0  }
0x20: {  	[sflag:s8] =	ssyncset.s32 @!p0 $0xFFFFF086;
	s6 =	sadd.s32 @!p0 s3, s7;
	s7 =	simm.s32 @!p0 $0x108  }
0x21: {  	s3 =	sadd.s32 s3, s9;
	s6 =	sadd.s32 @!p0 $0x88, s6;
	s7 =	simm.s32 @p2 $0x1082  }
0x22: {  	[simem:s7], [sflag:s8] =	dma.local @!p0 [hbm:s6], $0xF7A  }
0x23: {  	s9 =	sor.u32 $0xD0000000, s2;
	s6 =	simm.s32 $0x108;
	_ =	swait.ge @!p0 [sflag:s8], $0x0  }
0x24: {  	s3 =	sadd.s32 $0x88, s3;
	s6 =	simm.s32 @!p1 $0x1082;
	[sflag:s4] =	ssyncset.s32 $0xFFFFF086  }
0x25: {  	[simem:s6], [sflag:s4] =	dma.local [hbm:s3], $0xF7A  }
0x26: {  	[smem:$0x3F9D] =	sst s1;
	(tag) =	ssettag s2;
	_ =	strace s9  }
0x27: {  	s1 =	sld [smem:$0x3FAD]  }
0x28: {  	s2 =	sld [smem:$0x3FAE]  }
0x29: {  	s4 =	sld [smem:$0x3FB0]  }
0x2a: {  	p0 =	seq.s32 s5, $0x0;
	s5 =	sld [smem:$0x3FB1]  }
0x2b: {  	s6 =	sld [smem:$0x3FB2]  }
0x2c: {  	s7 =	sld [smem:$0x3FB3]  }
0x2d: {  	s3 =	simm.s32 $0x108;
	s8 =	sld [smem:$0x3FB4]  }
0x2e: {  	s3 =	simm.s32 @!p0 $0x1082;
	s9 =	sld [smem:$0x3FB5]  }
0x2f: {  	lr =	sadd.s32 s0, s3;
	s0 =	sld [smem:$0x3FAC]  }
0x30: {  	s3 =	sld [smem:$0x3FAF]  }
0x31: {  	[smem:$0x3FB8] =	sst s10  }
0x32: {  	s10 =	sld [smem:$0x3FB6];
	_ =	sdelay $0x3  }
0x33: {  	p0 =	seq.s32 s10, $0x1;
	s10 =	sld [smem:$0x3FB8];
	_ =	sdelay $0x3  }
0x34: {  	[smem:$0x3FB8] =	sst s10  }
0x35: {  	s10 =	sld [smem:$0x3FB7];
	_ =	sdelay $0x3  }
0x36: {  	p1 =	seq.s32 s10, $0x1;
	s10 =	sld [smem:$0x3FB8];
	_ =	sdelay $0x3  }
0x37: {  	[smem:$0x3FB8] =	sst s10  }
0x38: {  	s10 =	sld [smem:$0x3FB9]  }
0x39: {  	_ = 	snop;
	(pc) =	sbr.ind lr, $3  }
0x3a: {  	_ = 	snop  }
0x3b: {  	_ = 	snop  }
0x3c: {  	p2 =	seq.s32 s10, $0x1;
	s10 =	sld [smem:$0x3FB8]  }
0x3d: {  	_ =	shalt  }
0x3e: {  	_ =	shalt  }
0x3f: {  	_ =	shalt  }
0x40: {  	_ =	shalt  }
0x41: {  	_ =	shalt  }
0x42: {  	_ =	shalt  }
0x43: {  	_ =	shalt  }
0x44: {  	_ =	shalt  }
0x45: {  	_ =	shalt  }
0x46: {  	_ =	shalt  }
0x47: {  	_ =	shalt  }
0x48: {  	_ =	shalt  }
0x49: {  	_ =	shalt  }
0x4a: {  	_ =	shalt  }
0x4b: {  	_ =	shalt  }
0x4c: {  	_ =	shalt  }
0x4d: {  	_ =	shalt  }
0x4e: {  	_ =	shalt  }
0x4f: {  	_ =	shalt  }
0x50: {  	_ =	shalt  }
0x51: {  	_ =	shalt  }
0x52: {  	_ =	shalt  }
0x53: {  	_ =	shalt  }
0x54: {  	_ =	shalt  }
0x55: {  	_ =	shalt  }
0x56: {  	_ =	shalt  }
0x57: {  	_ =	shalt  }
0x58: {  	_ =	shalt  }
0x59: {  	_ =	shalt  }
0x5a: {  	_ =	shalt  }
0x5b: {  	_ =	shalt  }
0x5c: {  	_ =	shalt  }
0x5d: {  	_ =	shalt  }
0x5e: {  	_ =	shalt  }
0x5f: {  	_ =	shalt  }
0x60: {  	_ =	shalt  }
0x61: {  	_ =	shalt  }
0x62: {  	_ =	shalt  }
0x63: {  	_ =	shalt  }
0x64: {  	_ =	shalt  }
0x65: {  	_ =	shalt  }
0x66: {  	_ =	shalt  }
0x67: {  	_ =	shalt  }
0x68: {  	_ =	shalt  }
0x69: {  	_ =	shalt  }
0x6a: {  	_ =	shalt  }
0x6b: {  	_ =	shalt  }
0x6c: {  	_ =	shalt  }
0x6d: {  	_ =	shalt  }
0x6e: {  	_ =	shalt  }
0x6f: {  	_ =	shalt  }
0x70: {  	_ =	shalt  }
0x71: {  	_ =	shalt  }
0x72: {  	_ =	shalt  }
0x73: {  	_ =	shalt  }
0x74: {  	_ =	shalt  }
0x75: {  	_ =	shalt  }
0x76: {  	_ =	shalt  }
0x77: {  	_ =	shalt  }
0x78: {  	_ =	shalt  }
0x79: {  	_ =	shalt  }
0x7a: {  	_ =	shalt  }
0x7b: {  	_ =	shalt  }
0x7c: {  	_ =	shalt  }
0x7d: {  	_ =	shalt  }
0x7e: {  	_ =	shalt  }
0x7f: {  	_ =	shalt  }
0x80: {  	_ =	shalt  }
0x81: {  	_ =	shalt  }
0x82: {  	_ =	shalt  }
0x83: {  	_ =	shalt  }
0x84: {  	_ =	shalt  }
0x85: {  	_ =	shalt  }
0x86: {  	_ =	shalt  }
0x87: {  	_ =	shalt  }
.Lfunc_end0:
.L_simem_size_0:
called_computation.1_lowered:
.L_overlay_start_0:
0x88: {  	s2 =	sld [smem:$0x3FD9]  }
0x89: {  	s3 =	sld [smem:$0x3FFE];
	_ =	sdelay $0x1  }
0x8a: {  	s1 =	srdreg.scid  }
0x8b: {  	s0 =	sand.u32 $0x1, s1  }
0x8c: {  	s14 =	sshll.u32 s0, $0xA;
	s2 =	sadd.s32 s3, s2  }
0x8d: {  	s2 =	sadd.s32 s2, s14  }
0x8e: {  	[smem:$0x3FC4] =	sst s2  }
0x8f: {  	_ = 	snop  }
0x90: {  	s2 =	sld [smem:$0x3FD0];
	_ =	sdelay $0x2  }
0x91: {  	s15 =	simm.s32 $0xA;
	s4 =	simm.s32 $0x10  }
0x92: {  	[smem:s4], [sflag:s15] =	dma.local [hbm:s2], $0x1  }
0x93: {  	_ =	swait.eq [sflag:s15], $0x1  }
0x94: {  	[sflag:s15] =	ssyncset.done $0x0  }
0x95: {  	[sflag:s15] =	ssyncadd.s32 $0xFFFFFFFF  }
0x96: {  	s16 =	sld [smem:$0x11];
	(tm) =	ssettm $0x1  }
0x97: {  	s17 =	sld [smem:$0x3FFB];
	_ =	sdelay $0x3  }
0x98: {  	_ =	strace s17  }
0x99: {  	s3 =	sld [smem:$0x3FFC];
	_ =	sdelay $0x3  }
0x9a: {  	_ =	strace s3  }
0x9b: {  	s3 =	sld [smem:$0x3FFD];
	_ =	sdelay $0x3  }
0x9c: {  	_ =	strace s3  }
0x9d: {  	_ =	strace $0x8FFFFFFF  }
0x9e: {  	s18 =	sld [smem:$0x3FDB];
	_ =	sdelay $0x1  }
0x9f: {  	s19 =	simm.s32 $_scs_section_size  }
0xa0: {  	s5 =	simm.s32 $_size__tile_overlayer_lowered;
	s6 =	simm.s32 $_tile_overlayer_lowered  }
0xa1: {  	s22 =	simm.s32 $0x1BFF;
	s21 =	sshll.u32 s6, $0x1;
	s3 =	sadd.s32 s19, s18  }
0xa2: {  	s7 =	simm.s32 $0x0;
	s20 =	sshll.u32 s5, $0x1;
	s5 =	sadd.s32 s21, s3  }
0xa3: {  	[timem:s7], [sflag:s22] =	dma.local [hbm:s5], s20  }
0xa4: {  	_ =	swait.ge [sflag:s22], s20  }
0xa5: {  	s4 =	ssub.s32 $0x0, s20;
	[sflag:s22] =	ssyncset.done $0x0  }
0xa6: {  	[sflag:s22] =	ssyncadd.s32 s4;
	_ =	sdelay $0x1  }
0xa7: {  	s23 =	simm.s32 $0x1B8B  }
0xa8: {  	_ =	swait.ge [sflag:s23], $0x1  }
0xa9: {  	[sflag:s23] =	ssyncset.done $0x0  }
0xaa: {  	s25 =	simm.s32 $0x1B8E;
	s24 =	sld [smem:$0x3FFE];
	[sflag:s23] =	ssyncadd.s32 $0xFFFFFFFF  }
0xab: {  	s26 =	simm.s32 $execute0_lowered;
	[smem:$0x3FD2] =	sst s25  }
0xac: {  	s5 =	sshll.u32 s26, $0x1;
	_ =	strace $0x80000049;
	[dreg:$0x1] =	wrdreg $0xFFFFFFFF  }
0xad: {  	s28 =	simm.s32 $_size_execute0_lowered;
	s3 =	sadd.s32 s3, s5;
	[dreg:$0x0] =	wrdreg $0x0  }
0xae: {  	s5 =	sshll.u32 s28, $0x1;
	[dreg:$0x2] =	wrdreg s3  }
0xaf: {  	[dreg:$0x3] =	wrdreg s5  }
0xb0: {  	[dreg:$0x4] =	wrdreg $0xC0  }
0xb1: {  	_ =	task [dreg:s7], $0x5FFFF  }
0xb2: {  	[dreg:$0x1] =	wrdreg $0xFFFFFFFF  }
0xb3: {  	[dreg:$0x0] =	wrdreg $0x60  }
0xb4: {  	[dreg:$0x2] =	wrdreg s16  }
0xb5: {  	[dreg:$0x3] =	wrdreg s24  }
0xb6: {  	[dreg:$0x4] =	wrdreg $0x9  }
0xb7: {  	_ =	task.clear_ibuf [dreg:s7], $0x5FFFF;
	_ =	strace $0x90000049  }
0xb8: {  	s29 =	simm.s32 $0x9;
	_ =	strace $0x8000004B  }
0xb9: {  	_ =	swait.ge [sflag:s29], $0x1  }
0xba: {  	[sflag:s29] =	ssyncadd.s32 $0xFFFFFFFF  }
0xbb: {  	_ =	strace $0x9000004B  }
0xbc: {  	_ =	sfence  }
0xbd: {  	s30 =	sld [smem:$0x0];
	_ =	sdelay $0x2  }
0xbe: {  	s31 =	sshll.u32 s1, $0xD;
	s1 =	sshrl.u32 s1, $0x2  }
0xbf: {  	s3 =	sand.u32 $0x4000, s31;
	s1 =	sadd.s32 s1, s30  }
0xc0: {  	s0 =	sor.u32 s3, s0;
	s1 =	sshll.u32 s1, $0x11  }
0xc1: {  	s0 =	sor.u32 s1, s0  }
0xc2: {  	s0 =	sadd.s32 $0x8F2B, s0  }
0xc3: {  	[sflag:s0] =	ssyncadd.remote.s32 $0x1  }
0xc4: {  	_ =	sfence.sel $0xFFFF  }
0xc5: {  	[dreg:$0x0] =	wrdreg $0xFFFFFFFF;
	(pc) =	sbr.abs _section_cstart, $3  }
0xc6: {  	[dreg:$0x1] =	wrdreg $0xFFFFFFFF  }
0xc7: {  	_ =	task.clear_ibuf [dreg:s7], $0x2FFFF;
	_ =	strace $0x9FFFFFFF  }
0xc8: {  	(tm) =	ssettm $0x7FFFFFFF  }
0xc9: {  	_ =	shalt  }
tec
execute0_lowered:
.L_overlay_start_1:
0x0: {  	(tag) =	ssettag $0x1  }
0x1: {  	s1 =	srdreg.scid;
	s0 =	stileid.u32  }
0x2: {  	s12 =	sand.u32 $0x1, s1;
	s31 =	sshll.u32 s0, $0x1  }
0x3: {  	s1 =	sor.u32 s12, s31  }
0x4: {  	s7 =	rddreg [dreg:$0x0];
	s3 =	smul.u32 $0xA0, s1  }
0x5: {  	s11 =	rddreg [dreg:$0x1];
	s2 =	simm.s32 $0x0  }
0x6: {  	s4 =	simm.s32 $0x2;
	[smem:$0x7FF] =	sst s2;
	s8 =	sshrl.u32 s3, $0x3  }
0x7: {  	s1 =	rddreg [dreg:$0x2];
	_ =	strace $0x8000004A;
	s3 =	sadd.s32 s7, s8  }
0x8: {  	[tilespmem:s2], [sflag:$0x2] =	stream.linear.gather [hbm4b:s3+s2], $0x50, $0x38;
	[tilespmem:$0x200] =	vst v63  }
0x9: {  	_ =	swait.ge [sflag:s4], $0x50  }
0xa: {  	[sflag:s4] =	ssyncset.done $0x0  }
0xb: {  	s6 =	simm.s32 $0x80;
	s5 =	sadd.s32 s11, s8;
	[sflag:s4] =	ssyncadd.s32 $0xFFFFFFB0  }
0xc: {  	[tilespmem:s6], [sflag:$0x2] =	stream.linear.gather [hbm4b:s5+s2], $0x50, $0x38;
	[tilespmem:$0x200] =	vst v63  }
0xd: {  	_ =	swait.ge [sflag:s4], $0x50  }
0xe: {  	s9 =	sadd.s32 $0xA, s8;
	[sflag:s4] =	ssyncset.done $0x0  }
0xf: {  	s8 =	simm.s32 $0x100;
	s7 =	sadd.s32 s7, s9;
	[sflag:s4] =	ssyncadd.s32 $0xFFFFFFB0  }
0x10: {  	[tilespmem:s8], [sflag:$0x2] =	stream.linear.gather [hbm4b:s7+s2], $0x50, $0x38;
	[tilespmem:$0x200] =	vst v63  }
0x11: {  	_ =	swait.ge [sflag:s4], $0x50  }
0x12: {  	s10 =	simm.s32 $0x180;
	[sflag:s4] =	ssyncset.done $0x0  }
0x13: {  	s14 =	ssub.s32 $0x2, s12;
	s9 =	sadd.s32 s11, s9;
	[sflag:s4] =	ssyncadd.s32 $0xFFFFFFB0  }
0x14: {  	[tilespmem:s10], [sflag:$0x2] =	stream.linear.gather [hbm4b:s9+s2], $0x50, $0x38;
	[tilespmem:$0x200] =	vst v63  }
0x15: {  	s13 =	simm.s32 $0x50;
	s15 =	sshrl.u32 s14, $0x1;
	_ =	swait.ge [sflag:s4], $0x50  }
0x16: {  	s12 =	simm.s32 $0x1;
	s14 =	ssub.s32 s14, s15;
	[sflag:s4] =	ssyncset.done $0x0  }
0x17: {  	s14 =	smax.u32 s14, $0x1;
	s11 =	sadd.s32 $0x400, s11;
	[sflag:s4] =	ssyncadd.s32 $0xFFFFFFB0  }
0x18: {  	[hbm4b:s11+s13] =	stream.indirect.scatter [tilespmem:s2], [sflag:$0x1], $0x1, s6, s13, $0xb8;
	[tilespmem:$0x200] =	vst v63  }
0x19: {  	p0 =	sne.s32 s14, $0x1;
	_ =	swait.ge [sflag:s12], $0x50  }
.Ltmp0:
0x1a: {  	[sflag:s12] =	ssyncset.done $0x0;
	(pc) =	sbr.rel @!p0 .LBB2_2-.Ltmp0, $4  }
0x1b: {  	[sflag:s12] =	ssyncadd.s32 $0xFFFFFFB0  }
0x1c: {  	[hbm4b:s11+s13] =	stream.indirect.scatter [tilespmem:s8], [sflag:$0x1], $0x1, s10, s13, $0xb8;
	[tilespmem:$0x200] =	vst v63  }
0x1d: {  	_ =	swait.ge [sflag:s12], $0x50  }
0x1e: {  	s14 =	sadd.s32 $0xFFFFFFFF, s14;
	[sflag:s12] =	ssyncset.done $0x0  }
.LBB2_1:
0x1f: {  	p0 =	sne.s32 s14, $0x1;
	s14 =	sadd.s32 $0xFFFFFFFF, s14;
	[sflag:s12] =	ssyncadd.s32 $0xFFFFFFB0  }
0x20: {  	[tilespmem:s2], [sflag:$0x2] =	stream.linear.gather [hbm4b:s3+s2], $0x50, $0x38;
	[tilespmem:$0x200] =	vst v63  }
0x21: {  	_ =	swait.ge [sflag:s4], $0x50  }
0x22: {  	[sflag:s4] =	ssyncset.done $0x0  }
0x23: {  	[sflag:s4] =	ssyncadd.s32 $0xFFFFFFB0  }
0x24: {  	[tilespmem:s6], [sflag:$0x2] =	stream.linear.gather [hbm4b:s5+s2], $0x50, $0x38;
	[tilespmem:$0x200] =	vst v63  }
0x25: {  	_ =	swait.ge [sflag:s4], $0x50  }
0x26: {  	[sflag:s4] =	ssyncset.done $0x0  }
0x27: {  	[sflag:s4] =	ssyncadd.s32 $0xFFFFFFB0  }
0x28: {  	[tilespmem:s8], [sflag:$0x2] =	stream.linear.gather [hbm4b:s7+s2], $0x50, $0x38;
	[tilespmem:$0x200] =	vst v63  }
0x29: {  	_ =	swait.ge [sflag:s4], $0x50  }
0x2a: {  	[sflag:s4] =	ssyncset.done $0x0  }
0x2b: {  	[sflag:s4] =	ssyncadd.s32 $0xFFFFFFB0  }
0x2c: {  	[tilespmem:s10], [sflag:$0x2] =	stream.linear.gather [hbm4b:s9+s2], $0x50, $0x38;
	[tilespmem:$0x200] =	vst v63  }
0x2d: {  	_ =	swait.ge [sflag:s4], $0x50  }
0x2e: {  	[sflag:s4] =	ssyncset.done $0x0  }
0x2f: {  	[sflag:s4] =	ssyncadd.s32 $0xFFFFFFB0  }
0x30: {  	[hbm4b:s11+s13] =	stream.indirect.scatter [tilespmem:s2], [sflag:$0x1], $0x1, s6, s13, $0xb8;
	[tilespmem:$0x200] =	vst v63  }
0x31: {  	_ =	swait.ge [sflag:s12], $0x50  }
.Ltmp1:
0x32: {  	[sflag:s12] =	ssyncset.done $0x0;
	(pc) =	sbr.rel @p0 .LBB2_1-.Ltmp1, $4  }
0x33: {  	[sflag:s12] =	ssyncadd.s32 $0xFFFFFFB0  }
0x34: {  	[hbm4b:s11+s13] =	stream.indirect.scatter [tilespmem:s8], [sflag:$0x1], $0x1, s10, s13, $0xb8;
	[tilespmem:$0x200] =	vst v63  }
0x35: {  	_ =	swait.ge [sflag:s12], $0x50  }
0x36: {  	[sflag:s12] =	ssyncset.done $0x0  }
.LBB2_2:
0x37: {  	[sflag:s12] =	ssyncadd.s32 $0xFFFFFFB0  }
0x38: {  	_ =	sfence.sel $0x180000  }
0x39: {  	[bflag:$0x0] =	sbarrier.arrive $0xFFFF  }
0x3a: {  	p0 =	sne.s32 s0, $0x0;
	_ =	strace $0x9000004A  }
0x3b: {  	s0 =	sadd.s32 @!p0 $0x100000, s1;
	[bflag:$0x2] =	sbarrier.arrive $0xFFFF  }
0x3c: {  	[sflag:s0] =	ssyncadd.tile.s32 @!p0 $0x1;
	_ =	shalt  }
.Lfunc_end2:
_tile_overlayer_lowered:
.L_overlay_start_2:
0x3d: {  	(tag) =	ssettag $0x2  }
0x3e: {  	s0 =	rddreg [dreg:$0x0];
	s2 =	stileid.u32  }
0x3f: {  	s1 =	rddreg [dreg:$0x1];
	p0 =	sne.s32 s2, $0x0  }
0x40: {  	s3 =	rddreg [dreg:$0x2];
	[bflag:$0x3] =	sbarrier.arrive $0xFFFF;
	s2 =	simm.s32 @!p0 $0x1C02  }
0x41: {  	[timem:s3], [sflag:s2] =	dma.local @!p0 [hbm:s0], s1  }
0x42: {  	s0 =	simm.s32 @!p0 $0x2  }
0x43: {  	_ =	swait.ge @!p0 [sflag:s0], s1  }
0x44: {  	s1 =	ssub.s32 @!p0 $0x0, s1;
	[sflag:s0] =	ssyncset.done @!p0 $0x0  }
0x45: {  	[sflag:s0] =	ssyncadd.s32 @!p0 s1  }
0x46: {  	[bflag:$0x3] =	sbarrier.arrive $0xFFFF  }
0x47: {  	_ =	shalt  }

</sc_bundles>
